<compile_context>
chip_gen: v7x
topology: tpu7x:2x2x1
jax: 0.10.2.dev20260603
libtpu: 0.0.44.dev20260713+nightly
codegen_flags: <defaults>
</compile_context>

<pallas_src>
import functools
import jax
import jax.numpy as jnp
from jax import lax
from jax.experimental import pallas as pl
from jax.experimental.pallas import tpu as pltpu
from jax.experimental.pallas import tpu_sc as plsc

LANE = 16
CHUNK = 256
SUB = 128
NBUF = 3
EPS = 1e-12
_TAKE_DNUMS = lax.GatherDimensionNumbers(
    offset_dims=(), collapsed_slice_dims=(0,), start_index_map=(0,))


def _lane_take(v, idx):
    return lax.gather(v, idx[:, None], dimension_numbers=_TAKE_DNUMS,
                      slice_sizes=(1,),
                      mode=lax.GatherScatterMode.PROMISE_IN_BOUNDS)


def _vrsqrt(x):
    i = lax.bitcast_convert_type(x, jnp.int32)
    y = lax.bitcast_convert_type(
        jnp.int32(0x5F3759DF) - lax.shift_right_arithmetic(i, 1), jnp.float32)
    for _ in range(2):
        y = y * (1.5 - 0.5 * x * y * y)
    return y


def _lane_butterfly_sum(v):
    for step in (1, 2, 4, 8):
        perm = jnp.arange(LANE, dtype=jnp.int32) ^ step
        v = v + _lane_take(v, perm)
    return v


@functools.lru_cache(maxsize=None)
def _make_sc_kernel(n_rows, dim, n_pos):
    info = plsc.get_sparse_core_info()
    n_workers = info.num_cores * info.num_subcores
    assert n_rows % (n_workers * CHUNK) == 0
    rows_per_w = n_rows // n_workers
    n_chunks = rows_per_w // CHUNK
    chunks_per_w = n_chunks
    kblk = dim // LANE
    n_sub = CHUNK // SUB

    @functools.partial(
        pl.kernel,
        out_type=jax.ShapeDtypeStruct((n_rows, dim), jnp.float32),
        mesh=plsc.VectorSubcoreMesh(core_axis_name="c", subcore_axis_name="s"),
        scratch_types=[
            pltpu.VMEM((NBUF, 2, CHUNK), jnp.int32),
            pltpu.VMEM((NBUF, CHUNK, dim), jnp.float32),
            pltpu.VMEM((n_pos, dim), jnp.float32),
            pltpu.VMEM((3, dim), jnp.float32),
            pltpu.SemaphoreType.DMA,
            pltpu.SemaphoreType.DMA,
            pltpu.SemaphoreType.DMA,
        ],
    )
    def sc_kernel(ixs_hbm, tok_hbm, pos0_hbm, sdif_hbm, gam_hbm, bet_hbm,
                  out_hbm, idx_v, rows_v, pos_v, gbs_v, sem_i, sem_g, sem_o):
        wid = lax.axis_index("s") * info.num_cores + lax.axis_index("c")
        wbase = wid * rows_per_w
        wchunk = wid * chunks_per_w
        pltpu.sync_copy(pos0_hbm, pos_v)
        pltpu.sync_copy(gam_hbm, gbs_v.at[0])
        pltpu.sync_copy(bet_hbm, gbs_v.at[1])
        pltpu.sync_copy(sdif_hbm, gbs_v.at[2])
        gvec = [gbs_v[0, pl.ds(k * LANE, LANE)] for k in range(kblk)]
        bvec = [gbs_v[1, pl.ds(k * LANE, LANE)] for k in range(kblk)]
        sdif = [gbs_v[2, pl.ds(k * LANE, LANE)] for k in range(kblk)]

        def issue_idx(t, ring):
            tc = jnp.minimum(t, n_chunks - 1)
            pltpu.async_copy(ixs_hbm.at[wchunk + tc], idx_v.at[ring], sem_i)

        def drain_idx(t, ring):
            tc = jnp.minimum(t, n_chunks - 1)
            pltpu.make_async_copy(
                ixs_hbm.at[wchunk + tc], idx_v.at[ring], sem_i).wait()

        def issue_gather(ring, rb):
            for i in range(n_sub):
                pltpu.async_copy(
                    tok_hbm.at[idx_v.at[ring, 0, pl.ds(i * SUB, SUB)]],
                    rows_v.at[rb, pl.ds(i * SUB, SUB)], sem_g)

        def drain_gather(ring, rb):
            for i in range(n_sub):
                pltpu.make_async_copy(
                    tok_hbm.at[idx_v.at[ring, 0, pl.ds(i * SUB, SUB)]],
                    rows_v.at[rb, pl.ds(i * SUB, SUB)], sem_g).wait()

        def drain_out(rb, base):
            pltpu.make_async_copy(
                rows_v.at[rb], out_hbm.at[pl.ds(base, CHUNK)], sem_o).wait()

        issue_idx(0, 0)
        issue_idx(1, 1)
        drain_idx(0, 0)
        issue_gather(0, 0)

        def chunk_body(t, carry):
            b = lax.rem(t, NBUF)
            bn = lax.rem(t + 1, NBUF)
            base = wbase + t * CHUNK

            @pl.when(t >= 2)
            def _():
                drain_out(bn, wbase + (t - 2) * CHUNK)

            drain_idx(t + 1, bn)
            issue_gather(bn, bn)
            issue_idx(t + 2, lax.rem(t + 2, NBUF))

            drain_gather(b, b)

            def group_body(g, c1):
                seg16 = idx_v[b, 1, pl.ds(g * LANE, LANE)]
                pbase = base + g * LANE

                @plsc.parallel_loop(0, LANE, 1, unroll=8)
                def _row(jj):
                    j = g * LANE + jj
                    p = lax.rem(pbase + jj, n_pos)
                    s_spl = _lane_take(seg16, jnp.full((LANE,), jj, jnp.int32))
                    sf = s_spl.astype(jnp.float32)
                    e = []
                    for k in range(kblk):
                        tok_k = rows_v[b, j, pl.ds(k * LANE, LANE)]
                        pos_k = pos_v[p, pl.ds(k * LANE, LANE)]
                        e.append((tok_k + pos_k) + sf * sdif[k])
                    acc = e[0]
                    accq = e[0] * e[0]
                    for k in range(1, kblk):
                        acc = acc + e[k]
                        accq = accq + e[k] * e[k]
                    usum = _lane_butterfly_sum(acc)
                    qsum = _lane_butterfly_sum(accq)
                    u = usum * (1.0 / dim)
                    var = qsum * (1.0 / dim) - u * u
                    r = _vrsqrt(var + EPS)
                    for k in range(kblk):
                        rows_v[b, j, pl.ds(k * LANE, LANE)] = (
                            gvec[k] * ((e[k] - u) * r) + bvec[k])

                return c1

            lax.fori_loop(0, CHUNK // LANE, group_body, 0)

            pltpu.async_copy(rows_v.at[b], out_hbm.at[pl.ds(base, CHUNK)],
                             sem_o)
            return carry

        lax.fori_loop(0, n_chunks, chunk_body, 0)

        drain_idx(n_chunks + 1, lax.rem(n_chunks + 1, NBUF))
        drain_gather(lax.rem(n_chunks, NBUF), lax.rem(n_chunks, NBUF))
        drain_out(lax.rem(n_chunks - 2, NBUF), wbase + (n_chunks - 2) * CHUNK)
        drain_out(lax.rem(n_chunks - 1, NBUF), wbase + (n_chunks - 1) * CHUNK)

    return sc_kernel


def kernel(x, seg, tok_table, pos_table, seg_table, gamma, beta):
    b, l = x.shape
    vocab, dim = tok_table.shape
    n = b * l
    nc = n // CHUNK
    ixs = jnp.stack([x.astype(jnp.int32).reshape(nc, CHUNK),
                     seg.astype(jnp.int32).reshape(nc, CHUNK)], axis=1)
    pos0 = pos_table[:l] + seg_table[0]
    sdif = seg_table[1] - seg_table[0]
    out = _make_sc_kernel(n, dim, l)(ixs, tok_table, pos0, sdif, gamma, beta)
    return out.reshape(b, l, dim)

# --- scband reference (transcript-rebuilt; emitter-appended) ---
"""Pipeline reference for scband-embeddings-1331439862403 (READ-ONLY COPY).

The authoritative reference and input builder live on the scoring server;
editing this copy changes nothing except your own understanding.
"""

import jax, jax.numpy as jnp
import numpy as np

VOCAB = 100000
DIM = 128
MAX_LEN = 512
N_SEG = 2
B = 4096
L = 200
EPS = 1e-12


def setup_inputs(seed: int = 0) -> dict:
    key = jax.random.key(seed)
    kx, ks, kt, kp, kg = (jax.random.fold_in(key, i) for i in range(5))
    x = jax.random.randint(kx, (B, L), 0, VOCAB, dtype=jnp.int64 if jax.config.read('jax_enable_x64') else jnp.int32)
    seg = jax.random.randint(ks, (B, L), 0, N_SEG, dtype=x.dtype)
    tok_table = jax.random.normal(kt, (VOCAB, DIM), dtype=jnp.float32) * 0.02
    pos_table = jax.random.normal(kp, (MAX_LEN, DIM), dtype=jnp.float32) * 0.02
    seg_table = jax.random.normal(kg, (N_SEG, DIM), dtype=jnp.float32) * 0.02
    gamma = jnp.ones((DIM,), dtype=jnp.float32)
    beta = jnp.zeros((DIM,), dtype=jnp.float32)
    return {"x": x, "seg": seg, "tok_table": tok_table, "pos_table": pos_table,
            "seg_table": seg_table, "gamma": gamma, "beta": beta}


def reference(x, seg, tok_table, pos_table, seg_table, gamma, beta):
    seq_len = x.shape[1]
    pos = jnp.arange(seq_len, dtype=x.dtype)[None, :]
    pos = jnp.broadcast_to(pos, x.shape)
    e = jnp.take(tok_table, x, axis=0) + jnp.take(pos_table, pos, axis=0) + jnp.take(seg_table, seg, axis=0)
    u = jnp.mean(e, axis=-1, keepdims=True)
    s = jnp.mean((e - u) ** 2, axis=-1, keepdims=True)
    h = (e - u) / jnp.sqrt(s + EPS)
    return gamma * h + beta

if __name__ == "__main__":
    import jax
    _d = setup_inputs()
    print(jax.jit(kernel)(*tuple(_d.values())))

</pallas_src>

<mosaic_0001>
#map = affine_map<(d0, d1) -> (0, 0, 0)>
#map1 = affine_map<(d0, d1) -> (0, 0)>
#map2 = affine_map<(d0, d1) -> (0)>
module attributes {stable_mosaic.version = 14 : i64} {
  func.func @sc_kernel(%arg0: i32, %arg1: i32, %arg2: memref<3200x2x256xi32, #tpu.memory_space<hbm>>, %arg3: memref<100000x128xf32, #tpu.memory_space<hbm>>, %arg4: memref<200x128xf32, #tpu.memory_space<hbm>>, %arg5: memref<128xf32, #tpu.memory_space<hbm>>, %arg6: memref<128xf32, #tpu.memory_space<hbm>>, %arg7: memref<128xf32, #tpu.memory_space<hbm>>, %arg8: memref<819200x128xf32, #tpu.memory_space<hbm>>, %arg9: memref<3x2x256xi32, #tpu.memory_space<vmem>>, %arg10: memref<3x256x128xf32, #tpu.memory_space<vmem>>, %arg11: memref<200x128xf32, #tpu.memory_space<vmem>>, %arg12: memref<3x128xf32, #tpu.memory_space<vmem>>, %arg13: memref<!tpu.dma_semaphore, #tpu.memory_space<semaphore_mem>>, %arg14: memref<!tpu.dma_semaphore, #tpu.memory_space<semaphore_mem>>, %arg15: memref<!tpu.dma_semaphore, #tpu.memory_space<semaphore_mem>>) attributes {dimension_semantics = [#tpu.dimension_semantics<core_parallel>, #tpu.dimension_semantics<subcore_parallel>], iteration_bounds = array<i64: 2, 16>, scalar_prefetch = 0 : i64, scratch_operands = 7 : i64, tpu.core_type = #tpu.core_type<sc_vector_subcore>, window_params = [{transform_indices = #map}, {transform_indices = #map1}, {transform_indices = #map1}, {transform_indices = #map2}, {transform_indices = #map2}, {transform_indices = #map2}, {transform_indices = #map1}]} {
    %mul3A = arith.constant 2 : i32
    %mul3A_0 = arith.muli %arg1, %mul3A : i32
    %add3A = arith.addi %mul3A_0, %arg0 : i32
    %mul3A_1 = arith.constant 25600 : i32
    %mul3A_2 = arith.muli %add3A, %mul3A_1 : i32
    %mul3A_3 = arith.constant 100 : i32
    %mul3A_4 = arith.muli %add3A, %mul3A_3 : i32
    "tpu.region"() ({
      %run_scoped3A_301 = tpu.sem_alloc : memref<!tpu.dma_semaphore, #tpu.memory_space<semaphore_mem>>
      tpu.enqueue_dma source(%arg4 : memref<200x128xf32, #tpu.memory_space<hbm>>) target(%arg11 : memref<200x128xf32, #tpu.memory_space<vmem>>) target_semaphore(%run_scoped3A_301 : memref<!tpu.dma_semaphore, #tpu.memory_space<semaphore_mem>>)
      tpu.wait_dma2 semaphore(%run_scoped3A_301 : memref<!tpu.dma_semaphore, #tpu.memory_space<semaphore_mem>>) src(%arg4 : memref<200x128xf32, #tpu.memory_space<hbm>>) dst(%arg11 : memref<200x128xf32, #tpu.memory_space<vmem>>)
      tpu.yield
    }) : () -> ()
    %run_scoped3A = arith.constant 0 : i32
    "tpu.region"() ({
      %run_scoped3A_301 = tpu.sem_alloc : memref<!tpu.dma_semaphore, #tpu.memory_space<semaphore_mem>>
      %dma_start3A_302 = arith.constant 0 : i32
      %dma_start3A_303 = tpu.memref_slice %arg12[%run_scoped3A, %dma_start3A_302] : memref<3x128xf32, #tpu.memory_space<vmem>> -> memref<1x128xf32, #tpu.memory_space<vmem>>
      %dma_start3A_304 = tpu.memref_squeeze %dma_start3A_303 : memref<1x128xf32, #tpu.memory_space<vmem>> -> memref<128xf32, #tpu.memory_space<vmem>>
      %dma_start3A_305 = arith.constant 0 : i32
      %dma_start3A_306 = tpu.memref_slice %arg12[%run_scoped3A, %dma_start3A_305] : memref<3x128xf32, #tpu.memory_space<vmem>> -> memref<1x128xf32, #tpu.memory_space<vmem>>
      %dma_start3A_307 = tpu.memref_squeeze %dma_start3A_306 : memref<1x128xf32, #tpu.memory_space<vmem>> -> memref<128xf32, #tpu.memory_space<vmem>>
      tpu.enqueue_dma source(%arg6 : memref<128xf32, #tpu.memory_space<hbm>>) target(%dma_start3A_307 : memref<128xf32, #tpu.memory_space<vmem>>) target_semaphore(%run_scoped3A_301 : memref<!tpu.dma_semaphore, #tpu.memory_space<semaphore_mem>>)
      %dma_wait3A_308 = arith.constant 0 : i32
      %dma_wait3A_309 = tpu.memref_slice %arg12[%run_scoped3A, %dma_wait3A_308] : memref<3x128xf32, #tpu.memory_space<vmem>> -> memref<1x128xf32, #tpu.memory_space<vmem>>
      %dma_wait3A_310 = tpu.memref_squeeze %dma_wait3A_309 : memref<1x128xf32, #tpu.memory_space<vmem>> -> memref<128xf32, #tpu.memory_space<vmem>>
      %dma_wait3A_311 = arith.constant 0 : i32
      %dma_wait3A_312 = tpu.memref_slice %arg12[%run_scoped3A, %dma_wait3A_311] : memref<3x128xf32, #tpu.memory_space<vmem>> -> memref<1x128xf32, #tpu.memory_space<vmem>>
      %dma_wait3A_313 = tpu.memref_squeeze %dma_wait3A_312 : memref<1x128xf32, #tpu.memory_space<vmem>> -> memref<128xf32, #tpu.memory_space<vmem>>
      tpu.wait_dma2 semaphore(%run_scoped3A_301 : memref<!tpu.dma_semaphore, #tpu.memory_space<semaphore_mem>>) src(%arg6 : memref<128xf32, #tpu.memory_space<hbm>>) dst(%dma_wait3A_313 : memref<128xf32, #tpu.memory_space<vmem>>)
      tpu.yield
    }) : () -> ()
    %run_scoped3A_5 = arith.constant 1 : i32
    "tpu.region"() ({
      %run_scoped3A_301 = tpu.sem_alloc : memref<!tpu.dma_semaphore, #tpu.memory_space<semaphore_mem>>
      %dma_start3A_302 = arith.constant 0 : i32
      %dma_start3A_303 = tpu.memref_slice %arg12[%run_scoped3A_5, %dma_start3A_302] : memref<3x128xf32, #tpu.memory_space<vmem>> -> memref<1x128xf32, #tpu.memory_space<vmem>>
      %dma_start3A_304 = tpu.memref_squeeze %dma_start3A_303 : memref<1x128xf32, #tpu.memory_space<vmem>> -> memref<128xf32, #tpu.memory_space<vmem>>
      %dma_start3A_305 = arith.constant 0 : i32
      %dma_start3A_306 = tpu.memref_slice %arg12[%run_scoped3A_5, %dma_start3A_305] : memref<3x128xf32, #tpu.memory_space<vmem>> -> memref<1x128xf32, #tpu.memory_space<vmem>>
      %dma_start3A_307 = tpu.memref_squeeze %dma_start3A_306 : memref<1x128xf32, #tpu.memory_space<vmem>> -> memref<128xf32, #tpu.memory_space<vmem>>
      tpu.enqueue_dma source(%arg7 : memref<128xf32, #tpu.memory_space<hbm>>) target(%dma_start3A_307 : memref<128xf32, #tpu.memory_space<vmem>>) target_semaphore(%run_scoped3A_301 : memref<!tpu.dma_semaphore, #tpu.memory_space<semaphore_mem>>)
      %dma_wait3A_308 = arith.constant 0 : i32
      %dma_wait3A_309 = tpu.memref_slice %arg12[%run_scoped3A_5, %dma_wait3A_308] : memref<3x128xf32, #tpu.memory_space<vmem>> -> memref<1x128xf32, #tpu.memory_space<vmem>>
      %dma_wait3A_310 = tpu.memref_squeeze %dma_wait3A_309 : memref<1x128xf32, #tpu.memory_space<vmem>> -> memref<128xf32, #tpu.memory_space<vmem>>
      %dma_wait3A_311 = arith.constant 0 : i32
      %dma_wait3A_312 = tpu.memref_slice %arg12[%run_scoped3A_5, %dma_wait3A_311] : memref<3x128xf32, #tpu.memory_space<vmem>> -> memref<1x128xf32, #tpu.memory_space<vmem>>
      %dma_wait3A_313 = tpu.memref_squeeze %dma_wait3A_312 : memref<1x128xf32, #tpu.memory_space<vmem>> -> memref<128xf32, #tpu.memory_space<vmem>>
      tpu.wait_dma2 semaphore(%run_scoped3A_301 : memref<!tpu.dma_semaphore, #tpu.memory_space<semaphore_mem>>) src(%arg7 : memref<128xf32, #tpu.memory_space<hbm>>) dst(%dma_wait3A_313 : memref<128xf32, #tpu.memory_space<vmem>>)
      tpu.yield
    }) : () -> ()
    %run_scoped3A_6 = arith.constant 2 : i32
    "tpu.region"() ({
      %run_scoped3A_301 = tpu.sem_alloc : memref<!tpu.dma_semaphore, #tpu.memory_space<semaphore_mem>>
      %dma_start3A_302 = arith.constant 0 : i32
      %dma_start3A_303 = tpu.memref_slice %arg12[%run_scoped3A_6, %dma_start3A_302] : memref<3x128xf32, #tpu.memory_space<vmem>> -> memref<1x128xf32, #tpu.memory_space<vmem>>
      %dma_start3A_304 = tpu.memref_squeeze %dma_start3A_303 : memref<1x128xf32, #tpu.memory_space<vmem>> -> memref<128xf32, #tpu.memory_space<vmem>>
      %dma_start3A_305 = arith.constant 0 : i32
      %dma_start3A_306 = tpu.memref_slice %arg12[%run_scoped3A_6, %dma_start3A_305] : memref<3x128xf32, #tpu.memory_space<vmem>> -> memref<1x128xf32, #tpu.memory_space<vmem>>
      %dma_start3A_307 = tpu.memref_squeeze %dma_start3A_306 : memref<1x128xf32, #tpu.memory_space<vmem>> -> memref<128xf32, #tpu.memory_space<vmem>>
      tpu.enqueue_dma source(%arg5 : memref<128xf32, #tpu.memory_space<hbm>>) target(%dma_start3A_307 : memref<128xf32, #tpu.memory_space<vmem>>) target_semaphore(%run_scoped3A_301 : memref<!tpu.dma_semaphore, #tpu.memory_space<semaphore_mem>>)
      %dma_wait3A_308 = arith.constant 0 : i32
      %dma_wait3A_309 = tpu.memref_slice %arg12[%run_scoped3A_6, %dma_wait3A_308] : memref<3x128xf32, #tpu.memory_space<vmem>> -> memref<1x128xf32, #tpu.memory_space<vmem>>
      %dma_wait3A_310 = tpu.memref_squeeze %dma_wait3A_309 : memref<1x128xf32, #tpu.memory_space<vmem>> -> memref<128xf32, #tpu.memory_space<vmem>>
      %dma_wait3A_311 = arith.constant 0 : i32
      %dma_wait3A_312 = tpu.memref_slice %arg12[%run_scoped3A_6, %dma_wait3A_311] : memref<3x128xf32, #tpu.memory_space<vmem>> -> memref<1x128xf32, #tpu.memory_space<vmem>>
      %dma_wait3A_313 = tpu.memref_squeeze %dma_wait3A_312 : memref<1x128xf32, #tpu.memory_space<vmem>> -> memref<128xf32, #tpu.memory_space<vmem>>
      tpu.wait_dma2 semaphore(%run_scoped3A_301 : memref<!tpu.dma_semaphore, #tpu.memory_space<semaphore_mem>>) src(%arg5 : memref<128xf32, #tpu.memory_space<hbm>>) dst(%dma_wait3A_313 : memref<128xf32, #tpu.memory_space<vmem>>)
      tpu.yield
    }) : () -> ()
    %get3A = arith.constant 0 : i32
    %get3A_7 = arith.index_cast %get3A : i32 to index
    %get3A_8 = arith.constant 0 : index
    %get3A_9 = tpu.vector_load %arg12[%get3A_7, %get3A_8] {strides = array<i32>} : memref<3x128xf32, #tpu.memory_space<vmem>>, vector<1x16xf32>,
    %get3A_10 = vector.shape_cast %get3A_9 : vector<1x16xf32> to vector<16xf32>
    %get3A_11 = arith.constant 0 : i32
    %get3A_12 = arith.index_cast %get3A_11 : i32 to index
    %get3A_13 = arith.constant 16 : index
    %get3A_14 = tpu.vector_load %arg12[%get3A_12, %get3A_13] {strides = array<i32>} : memref<3x128xf32, #tpu.memory_space<vmem>>, vector<1x16xf32>,
    %get3A_15 = vector.shape_cast %get3A_14 : vector<1x16xf32> to vector<16xf32>
    %get3A_16 = arith.constant 0 : i32
    %get3A_17 = arith.index_cast %get3A_16 : i32 to index
    %get3A_18 = arith.constant 32 : index
    %get3A_19 = tpu.vector_load %arg12[%get3A_17, %get3A_18] {strides = array<i32>} : memref<3x128xf32, #tpu.memory_space<vmem>>, vector<1x16xf32>,
    %get3A_20 = vector.shape_cast %get3A_19 : vector<1x16xf32> to vector<16xf32>
    %get3A_21 = arith.constant 0 : i32
    %get3A_22 = arith.index_cast %get3A_21 : i32 to index
    %get3A_23 = arith.constant 48 : index
    %get3A_24 = tpu.vector_load %arg12[%get3A_22, %get3A_23] {strides = array<i32>} : memref<3x128xf32, #tpu.memory_space<vmem>>, vector<1x16xf32>,
    %get3A_25 = vector.shape_cast %get3A_24 : vector<1x16xf32> to vector<16xf32>
    %get3A_26 = arith.constant 0 : i32
    %get3A_27 = arith.index_cast %get3A_26 : i32 to index
    %get3A_28 = arith.constant 64 : index
    %get3A_29 = tpu.vector_load %arg12[%get3A_27, %get3A_28] {strides = array<i32>} : memref<3x128xf32, #tpu.memory_space<vmem>>, vector<1x16xf32>,
    %get3A_30 = vector.shape_cast %get3A_29 : vector<1x16xf32> to vector<16xf32>
    %get3A_31 = arith.constant 0 : i32
    %get3A_32 = arith.index_cast %get3A_31 : i32 to index
    %get3A_33 = arith.constant 80 : index
    %get3A_34 = tpu.vector_load %arg12[%get3A_32, %get3A_33] {strides = array<i32>} : memref<3x128xf32, #tpu.memory_space<vmem>>, vector<1x16xf32>,
    %get3A_35 = vector.shape_cast %get3A_34 : vector<1x16xf32> to vector<16xf32>
    %get3A_36 = arith.constant 0 : i32
    %get3A_37 = arith.index_cast %get3A_36 : i32 to index
    %get3A_38 = arith.constant 96 : index
    %get3A_39 = tpu.vector_load %arg12[%get3A_37, %get3A_38] {strides = array<i32>} : memref<3x128xf32, #tpu.memory_space<vmem>>, vector<1x16xf32>,
    %get3A_40 = vector.shape_cast %get3A_39 : vector<1x16xf32> to vector<16xf32>
    %get3A_41 = arith.constant 0 : i32
    %get3A_42 = arith.index_cast %get3A_41 : i32 to index
    %get3A_43 = arith.constant 112 : index
    %get3A_44 = tpu.vector_load %arg12[%get3A_42, %get3A_43] {strides = array<i32>} : memref<3x128xf32, #tpu.memory_space<vmem>>, vector<1x16xf32>,
    %get3A_45 = vector.shape_cast %get3A_44 : vector<1x16xf32> to vector<16xf32>
    %get3A_46 = arith.constant 1 : i32
    %get3A_47 = arith.index_cast %get3A_46 : i32 to index
    %get3A_48 = arith.constant 0 : index
    %get3A_49 = tpu.vector_load %arg12[%get3A_47, %get3A_48] {strides = array<i32>} : memref<3x128xf32, #tpu.memory_space<vmem>>, vector<1x16xf32>,
    %get3A_50 = vector.shape_cast %get3A_49 : vector<1x16xf32> to vector<16xf32>
    %get3A_51 = arith.constant 1 : i32
    %get3A_52 = arith.index_cast %get3A_51 : i32 to index
    %get3A_53 = arith.constant 16 : index
    %get3A_54 = tpu.vector_load %arg12[%get3A_52, %get3A_53] {strides = array<i32>} : memref<3x128xf32, #tpu.memory_space<vmem>>, vector<1x16xf32>,
    %get3A_55 = vector.shape_cast %get3A_54 : vector<1x16xf32> to vector<16xf32>
    %get3A_56 = arith.constant 1 : i32
    %get3A_57 = arith.index_cast %get3A_56 : i32 to index
    %get3A_58 = arith.constant 32 : index
    %get3A_59 = tpu.vector_load %arg12[%get3A_57, %get3A_58] {strides = array<i32>} : memref<3x128xf32, #tpu.memory_space<vmem>>, vector<1x16xf32>,
    %get3A_60 = vector.shape_cast %get3A_59 : vector<1x16xf32> to vector<16xf32>
    %get3A_61 = arith.constant 1 : i32
    %get3A_62 = arith.index_cast %get3A_61 : i32 to index
    %get3A_63 = arith.constant 48 : index
    %get3A_64 = tpu.vector_load %arg12[%get3A_62, %get3A_63] {strides = array<i32>} : memref<3x128xf32, #tpu.memory_space<vmem>>, vector<1x16xf32>,
    %get3A_65 = vector.shape_cast %get3A_64 : vector<1x16xf32> to vector<16xf32>
    %get3A_66 = arith.constant 1 : i32
    %get3A_67 = arith.index_cast %get3A_66 : i32 to index
    %get3A_68 = arith.constant 64 : index
    %get3A_69 = tpu.vector_load %arg12[%get3A_67, %get3A_68] {strides = array<i32>} : memref<3x128xf32, #tpu.memory_space<vmem>>, vector<1x16xf32>,
    %get3A_70 = vector.shape_cast %get3A_69 : vector<1x16xf32> to vector<16xf32>
    %get3A_71 = arith.constant 1 : i32
    %get3A_72 = arith.index_cast %get3A_71 : i32 to index
    %get3A_73 = arith.constant 80 : index
    %get3A_74 = tpu.vector_load %arg12[%get3A_72, %get3A_73] {strides = array<i32>} : memref<3x128xf32, #tpu.memory_space<vmem>>, vector<1x16xf32>,
    %get3A_75 = vector.shape_cast %get3A_74 : vector<1x16xf32> to vector<16xf32>
    %get3A_76 = arith.constant 1 : i32
    %get3A_77 = arith.index_cast %get3A_76 : i32 to index
    %get3A_78 = arith.constant 96 : index
    %get3A_79 = tpu.vector_load %arg12[%get3A_77, %get3A_78] {strides = array<i32>} : memref<3x128xf32, #tpu.memory_space<vmem>>, vector<1x16xf32>,
    %get3A_80 = vector.shape_cast %get3A_79 : vector<1x16xf32> to vector<16xf32>
    %get3A_81 = arith.constant 1 : i32
    %get3A_82 = arith.index_cast %get3A_81 : i32 to index
    %get3A_83 = arith.constant 112 : index
    %get3A_84 = tpu.vector_load %arg12[%get3A_82, %get3A_83] {strides = array<i32>} : memref<3x128xf32, #tpu.memory_space<vmem>>, vector<1x16xf32>,
    %get3A_85 = vector.shape_cast %get3A_84 : vector<1x16xf32> to vector<16xf32>
    %get3A_86 = arith.constant 2 : i32
    %get3A_87 = arith.index_cast %get3A_86 : i32 to index
    %get3A_88 = arith.constant 0 : index
    %get3A_89 = tpu.vector_load %arg12[%get3A_87, %get3A_88] {strides = array<i32>} : memref<3x128xf32, #tpu.memory_space<vmem>>, vector<1x16xf32>,
    %get3A_90 = vector.shape_cast %get3A_89 : vector<1x16xf32> to vector<16xf32>
    %get3A_91 = arith.constant 2 : i32
    %get3A_92 = arith.index_cast %get3A_91 : i32 to index
    %get3A_93 = arith.constant 16 : index
    %get3A_94 = tpu.vector_load %arg12[%get3A_92, %get3A_93] {strides = array<i32>} : memref<3x128xf32, #tpu.memory_space<vmem>>, vector<1x16xf32>,
    %get3A_95 = vector.shape_cast %get3A_94 : vector<1x16xf32> to vector<16xf32>
    %get3A_96 = arith.constant 2 : i32
    %get3A_97 = arith.index_cast %get3A_96 : i32 to index
    %get3A_98 = arith.constant 32 : index
    %get3A_99 = tpu.vector_load %arg12[%get3A_97, %get3A_98] {strides = array<i32>} : memref<3x128xf32, #tpu.memory_space<vmem>>, vector<1x16xf32>,
    %get3A_100 = vector.shape_cast %get3A_99 : vector<1x16xf32> to vector<16xf32>
    %get3A_101 = arith.constant 2 : i32
    %get3A_102 = arith.index_cast %get3A_101 : i32 to index
    %get3A_103 = arith.constant 48 : index
    %get3A_104 = tpu.vector_load %arg12[%get3A_102, %get3A_103] {strides = array<i32>} : memref<3x128xf32, #tpu.memory_space<vmem>>, vector<1x16xf32>,
    %get3A_105 = vector.shape_cast %get3A_104 : vector<1x16xf32> to vector<16xf32>
    %get3A_106 = arith.constant 2 : i32
    %get3A_107 = arith.index_cast %get3A_106 : i32 to index
    %get3A_108 = arith.constant 64 : index
    %get3A_109 = tpu.vector_load %arg12[%get3A_107, %get3A_108] {strides = array<i32>} : memref<3x128xf32, #tpu.memory_space<vmem>>, vector<1x16xf32>,
    %get3A_110 = vector.shape_cast %get3A_109 : vector<1x16xf32> to vector<16xf32>
    %get3A_111 = arith.constant 2 : i32
    %get3A_112 = arith.index_cast %get3A_111 : i32 to index
    %get3A_113 = arith.constant 80 : index
    %get3A_114 = tpu.vector_load %arg12[%get3A_112, %get3A_113] {strides = array<i32>} : memref<3x128xf32, #tpu.memory_space<vmem>>, vector<1x16xf32>,
    %get3A_115 = vector.shape_cast %get3A_114 : vector<1x16xf32> to vector<16xf32>
    %get3A_116 = arith.constant 2 : i32
    %get3A_117 = arith.index_cast %get3A_116 : i32 to index
    %get3A_118 = arith.constant 96 : index
    %get3A_119 = tpu.vector_load %arg12[%get3A_117, %get3A_118] {strides = array<i32>} : memref<3x128xf32, #tpu.memory_space<vmem>>, vector<1x16xf32>,
    %get3A_120 = vector.shape_cast %get3A_119 : vector<1x16xf32> to vector<16xf32>
    %get3A_121 = arith.constant 2 : i32
    %get3A_122 = arith.index_cast %get3A_121 : i32 to index
    %get3A_123 = arith.constant 112 : index
    %get3A_124 = tpu.vector_load %arg12[%get3A_122, %get3A_123] {strides = array<i32>} : memref<3x128xf32, #tpu.memory_space<vmem>>, vector<1x16xf32>,
    %get3A_125 = vector.shape_cast %get3A_124 : vector<1x16xf32> to vector<16xf32>
    %min3A = arith.constant 0 : i32
    %min3A_126 = arith.constant 99 : i32
    %min3A_127 = arith.minsi %min3A, %min3A_126 : i32
    %add3A_128 = arith.addi %mul3A_4, %min3A_127 : i32
    %dma_start3A = arith.constant 0 : i32
    %dma_start3A_129 = arith.constant 0 : i32
    %dma_start3A_130 = arith.constant 0 : i32
    %dma_start3A_131 = tpu.memref_slice %arg9[%dma_start3A, %dma_start3A_129, %dma_start3A_130] : memref<3x2x256xi32, #tpu.memory_space<vmem>> -> memref<1x2x256xi32, #tpu.memory_space<vmem>>
    %dma_start3A_132 = tpu.memref_squeeze %dma_start3A_131 : memref<1x2x256xi32, #tpu.memory_space<vmem>> -> memref<2x256xi32, #tpu.memory_space<vmem>>
    %dma_start3A_133 = arith.constant 0 : i32
    %dma_start3A_134 = arith.constant 0 : i32
    %dma_start3A_135 = tpu.memref_slice %arg2[%add3A_128, %dma_start3A_133, %dma_start3A_134] : memref<3200x2x256xi32, #tpu.memory_space<hbm>> -> memref<1x2x256xi32, #tpu.memory_space<hbm>>
    %dma_start3A_136 = tpu.memref_squeeze %dma_start3A_135 : memref<1x2x256xi32, #tpu.memory_space<hbm>> -> memref<2x256xi32, #tpu.memory_space<hbm>>
    %dma_start3A_137 = arith.constant 0 : i32
    %dma_start3A_138 = arith.constant 0 : i32
    %dma_start3A_139 = tpu.memref_slice %arg9[%dma_start3A, %dma_start3A_137, %dma_start3A_138] : memref<3x2x256xi32, #tpu.memory_space<vmem>> -> memref<1x2x256xi32, #tpu.memory_space<vmem>>
    %dma_start3A_140 = tpu.memref_squeeze %dma_start3A_139 : memref<1x2x256xi32, #tpu.memory_space<vmem>> -> memref<2x256xi32, #tpu.memory_space<vmem>>
    %dma_start3A_141 = arith.constant 0 : i32
    %dma_start3A_142 = arith.constant 0 : i32
    %dma_start3A_143 = tpu.memref_slice %arg2[%add3A_128, %dma_start3A_141, %dma_start3A_142] : memref<3200x2x256xi32, #tpu.memory_space<hbm>> -> memref<1x2x256xi32, #tpu.memory_space<hbm>>
    %dma_start3A_144 = tpu.memref_squeeze %dma_start3A_143 : memref<1x2x256xi32, #tpu.memory_space<hbm>> -> memref<2x256xi32, #tpu.memory_space<hbm>>
    tpu.enqueue_dma source(%dma_start3A_144 : memref<2x256xi32, #tpu.memory_space<hbm>>) target(%dma_start3A_140 : memref<2x256xi32, #tpu.memory_space<vmem>>) target_semaphore(%arg13 : memref<!tpu.dma_semaphore, #tpu.memory_space<semaphore_mem>>)
    %min3A_145 = arith.constant 1 : i32
    %min3A_146 = arith.constant 99 : i32
    %min3A_147 = arith.minsi %min3A_145, %min3A_146 : i32
    %add3A_148 = arith.addi %mul3A_4, %min3A_147 : i32
    %dma_start3A_149 = arith.constant 1 : i32
    %dma_start3A_150 = arith.constant 0 : i32
    %dma_start3A_151 = arith.constant 0 : i32
    %dma_start3A_152 = tpu.memref_slice %arg9[%dma_start3A_149, %dma_start3A_150, %dma_start3A_151] : memref<3x2x256xi32, #tpu.memory_space<vmem>> -> memref<1x2x256xi32, #tpu.memory_space<vmem>>
    %dma_start3A_153 = tpu.memref_squeeze %dma_start3A_152 : memref<1x2x256xi32, #tpu.memory_space<vmem>> -> memref<2x256xi32, #tpu.memory_space<vmem>>
    %dma_start3A_154 = arith.constant 0 : i32
    %dma_start3A_155 = arith.constant 0 : i32
    %dma_start3A_156 = tpu.memref_slice %arg2[%add3A_148, %dma_start3A_154, %dma_start3A_155] : memref<3200x2x256xi32, #tpu.memory_space<hbm>> -> memref<1x2x256xi32, #tpu.memory_space<hbm>>
    %dma_start3A_157 = tpu.memref_squeeze %dma_start3A_156 : memref<1x2x256xi32, #tpu.memory_space<hbm>> -> memref<2x256xi32, #tpu.memory_space<hbm>>
    %dma_start3A_158 = arith.constant 0 : i32
    %dma_start3A_159 = arith.constant 0 : i32
    %dma_start3A_160 = tpu.memref_slice %arg9[%dma_start3A_149, %dma_start3A_158, %dma_start3A_159] : memref<3x2x256xi32, #tpu.memory_space<vmem>> -> memref<1x2x256xi32, #tpu.memory_space<vmem>>
    %dma_start3A_161 = tpu.memref_squeeze %dma_start3A_160 : memref<1x2x256xi32, #tpu.memory_space<vmem>> -> memref<2x256xi32, #tpu.memory_space<vmem>>
    %dma_start3A_162 = arith.constant 0 : i32
    %dma_start3A_163 = arith.constant 0 : i32
    %dma_start3A_164 = tpu.memref_slice %arg2[%add3A_148, %dma_start3A_162, %dma_start3A_163] : memref<3200x2x256xi32, #tpu.memory_space<hbm>> -> memref<1x2x256xi32, #tpu.memory_space<hbm>>
    %dma_start3A_165 = tpu.memref_squeeze %dma_start3A_164 : memref<1x2x256xi32, #tpu.memory_space<hbm>> -> memref<2x256xi32, #tpu.memory_space<hbm>>
    tpu.enqueue_dma source(%dma_start3A_165 : memref<2x256xi32, #tpu.memory_space<hbm>>) target(%dma_start3A_161 : memref<2x256xi32, #tpu.memory_space<vmem>>) target_semaphore(%arg13 : memref<!tpu.dma_semaphore, #tpu.memory_space<semaphore_mem>>)
    %min3A_166 = arith.constant 0 : i32
    %min3A_167 = arith.constant 99 : i32
    %min3A_168 = arith.minsi %min3A_166, %min3A_167 : i32
    %add3A_169 = arith.addi %mul3A_4, %min3A_168 : i32
    %dma_wait3A = arith.constant 0 : i32
    %dma_wait3A_170 = arith.constant 0 : i32
    %dma_wait3A_171 = arith.constant 0 : i32
    %dma_wait3A_172 = tpu.memref_slice %arg9[%dma_wait3A, %dma_wait3A_170, %dma_wait3A_171] : memref<3x2x256xi32, #tpu.memory_space<vmem>> -> memref<1x2x256xi32, #tpu.memory_space<vmem>>
    %dma_wait3A_173 = tpu.memref_squeeze %dma_wait3A_172 : memref<1x2x256xi32, #tpu.memory_space<vmem>> -> memref<2x256xi32, #tpu.memory_space<vmem>>
    %dma_wait3A_174 = arith.constant 0 : i32
    %dma_wait3A_175 = arith.constant 0 : i32
    %dma_wait3A_176 = tpu.memref_slice %arg2[%add3A_169, %dma_wait3A_174, %dma_wait3A_175] : memref<3200x2x256xi32, #tpu.memory_space<hbm>> -> memref<1x2x256xi32, #tpu.memory_space<hbm>>
    %dma_wait3A_177 = tpu.memref_squeeze %dma_wait3A_176 : memref<1x2x256xi32, #tpu.memory_space<hbm>> -> memref<2x256xi32, #tpu.memory_space<hbm>>
    %dma_wait3A_178 = arith.constant 0 : i32
    %dma_wait3A_179 = arith.constant 0 : i32
    %dma_wait3A_180 = tpu.memref_slice %arg9[%dma_wait3A, %dma_wait3A_178, %dma_wait3A_179] : memref<3x2x256xi32, #tpu.memory_space<vmem>> -> memref<1x2x256xi32, #tpu.memory_space<vmem>>
    %dma_wait3A_181 = tpu.memref_squeeze %dma_wait3A_180 : memref<1x2x256xi32, #tpu.memory_space<vmem>> -> memref<2x256xi32, #tpu.memory_space<vmem>>
    %dma_wait3A_182 = arith.constant 0 : i32
    %dma_wait3A_183 = arith.constant 0 : i32
    %dma_wait3A_184 = tpu.memref_slice %arg2[%add3A_169, %dma_wait3A_182, %dma_wait3A_183] : memref<3200x2x256xi32, #tpu.memory_space<hbm>> -> memref<1x2x256xi32, #tpu.memory_space<hbm>>
    %dma_wait3A_185 = tpu.memref_squeeze %dma_wait3A_184 : memref<1x2x256xi32, #tpu.memory_space<hbm>> -> memref<2x256xi32, #tpu.memory_space<hbm>>
    tpu.wait_dma2 semaphore(%arg13 : memref<!tpu.dma_semaphore, #tpu.memory_space<semaphore_mem>>) src(%dma_wait3A_185 : memref<2x256xi32, #tpu.memory_space<hbm>>) dst(%dma_wait3A_181 : memref<2x256xi32, #tpu.memory_space<vmem>>)
    %dma_start3A_186 = arith.constant 0 : i32
    %dma_start3A_187 = arith.constant 0 : i32
    %dma_start3A_188 = arith.constant 0 : i32
    %dma_start3A_189 = arith.constant 0 : i32
    %dma_start3A_190 = arith.constant 0 : i32
    %dma_start3A_191 = tpu.memref_slice %arg10[%dma_start3A_188, %dma_start3A_189, %dma_start3A_190] : memref<3x256x128xf32, #tpu.memory_space<vmem>> -> memref<1x128x128xf32, #tpu.memory_space<vmem>>
    %dma_start3A_192 = tpu.memref_squeeze %dma_start3A_191 : memref<1x128x128xf32, #tpu.memory_space<vmem>> -> memref<128x128xf32, #tpu.memory_space<vmem>>
    %dma_start3A_193 = arith.constant 0 : i32
    %dma_start3A_194 = tpu.memref_slice %arg9[%dma_start3A_186, %dma_start3A_187, %dma_start3A_193] : memref<3x2x256xi32, #tpu.memory_space<vmem>> -> memref<1x1x128xi32, #tpu.memory_space<vmem>>
    %dma_start3A_195 = tpu.memref_squeeze %dma_start3A_194 : memref<1x1x128xi32, #tpu.memory_space<vmem>> -> memref<128xi32, #tpu.memory_space<vmem>>
    %dma_start3A_196 = arith.constant 0 : i32
    %dma_start3A_197 = arith.constant 0 : i32
    %dma_start3A_198 = tpu.memref_slice %arg3[%dma_start3A_196, %dma_start3A_197] : memref<100000x128xf32, #tpu.memory_space<hbm>> -> memref<100000x128xf32, #tpu.memory_space<hbm>>
    tpu.enqueue_indirect_dma source(%dma_start3A_198 : memref<100000x128xf32, #tpu.memory_space<hbm>>) target(%dma_start3A_192 : memref<128x128xf32, #tpu.memory_space<vmem>>) offsets(%dma_start3A_195 : memref<128xi32, #tpu.memory_space<vmem>>) semaphore(%arg14 : memref<!tpu.dma_semaphore, #tpu.memory_space<semaphore_mem>>)
    %dma_start3A_199 = arith.constant 0 : i32
    %dma_start3A_200 = arith.constant 0 : i32
    %dma_start3A_201 = arith.constant 0 : i32
    %dma_start3A_202 = arith.constant 128 : i32
    %dma_start3A_203 = arith.constant 0 : i32
    %dma_start3A_204 = tpu.memref_slice %arg10[%dma_start3A_201, %dma_start3A_202, %dma_start3A_203] : memref<3x256x128xf32, #tpu.memory_space<vmem>> -> memref<1x128x128xf32, #tpu.memory_space<vmem>>
    %dma_start3A_205 = tpu.memref_squeeze %dma_start3A_204 : memref<1x128x128xf32, #tpu.memory_space<vmem>> -> memref<128x128xf32, #tpu.memory_space<vmem>>
    %dma_start3A_206 = arith.constant 128 : i32
    %dma_start3A_207 = tpu.memref_slice %arg9[%dma_start3A_199, %dma_start3A_200, %dma_start3A_206] : memref<3x2x256xi32, #tpu.memory_space<vmem>> -> memref<1x1x128xi32, #tpu.memory_space<vmem>>
    %dma_start3A_208 = tpu.memref_squeeze %dma_start3A_207 : memref<1x1x128xi32, #tpu.memory_space<vmem>> -> memref<128xi32, #tpu.memory_space<vmem>>
    %dma_start3A_209 = arith.constant 0 : i32
    %dma_start3A_210 = arith.constant 0 : i32
    %dma_start3A_211 = tpu.memref_slice %arg3[%dma_start3A_209, %dma_start3A_210] : memref<100000x128xf32, #tpu.memory_space<hbm>> -> memref<100000x128xf32, #tpu.memory_space<hbm>>
    tpu.enqueue_indirect_dma source(%dma_start3A_211 : memref<100000x128xf32, #tpu.memory_space<hbm>>) target(%dma_start3A_205 : memref<128x128xf32, #tpu.memory_space<vmem>>) offsets(%dma_start3A_208 : memref<128xi32, #tpu.memory_space<vmem>>) semaphore(%arg14 : memref<!tpu.dma_semaphore, #tpu.memory_space<semaphore_mem>>)
    %scan3A = arith.constant 0 : i32
    %scan3A_212 = arith.constant 0 : i32
    %scan3A_213 = arith.constant 100 : i32
    %scan3A_214 = arith.addi %scan3A_212, %scan3A_213 : i32
    %scan3A_215 = arith.constant 1 : i32
    scf.for %scan3A_301 = %scan3A_212 to %scan3A_214 step %scan3A_215  : i32 {
      %rem3A_302 = arith.constant 3 : i32
      %rem3A_303 = arith.remsi %scan3A_301, %rem3A_302 : i32
      %add3A_304 = arith.constant 1 : i32
      %add3A_305 = arith.addi %scan3A_301, %add3A_304 : i32
      %rem3A_306 = arith.constant 3 : i32
      %rem3A_307 = arith.remsi %add3A_305, %rem3A_306 : i32
      %mul3A_308 = arith.constant 256 : i32
      %mul3A_309 = arith.muli %scan3A_301, %mul3A_308 : i32
      %add3A_310 = arith.addi %mul3A_2, %mul3A_309 : i32
      %ge3A = arith.constant 2 : i32
      %ge3A_311 = arith.cmpi sge, %scan3A_301, %ge3A : i32
      %convert_element_type3A = arith.extui %ge3A_311 : i1 to i32
      %cond3A = arith.constant 0 : i32
      %cond3A_312 = arith.cmpi ne, %convert_element_type3A, %cond3A : i32
      scf.if %cond3A_312 {
        %sub3A = arith.constant 2 : i32
        %sub3A_421 = arith.subi %scan3A_301, %sub3A : i32
        %mul3A_422 = arith.constant 256 : i32
        %mul3A_423 = arith.muli %sub3A_421, %mul3A_422 : i32
        %add3A_424 = arith.addi %mul3A_2, %mul3A_423 : i32
        %dma_wait3A_425 = arith.constant 0 : i32
        %dma_wait3A_426 = arith.constant 0 : i32
        %dma_wait3A_427 = tpu.memref_slice %arg10[%rem3A_307, %dma_wait3A_425, %dma_wait3A_426] : memref<3x256x128xf32, #tpu.memory_space<vmem>> -> memref<1x256x128xf32, #tpu.memory_space<vmem>>
        %dma_wait3A_428 = tpu.memref_squeeze %dma_wait3A_427 : memref<1x256x128xf32, #tpu.memory_space<vmem>> -> memref<256x128xf32, #tpu.memory_space<vmem>>
        %dma_wait3A_429 = arith.constant 0 : i32
        %dma_wait3A_430 = tpu.memref_slice %arg8[%add3A_424, %dma_wait3A_429] : memref<819200x128xf32, #tpu.memory_space<hbm>> -> memref<256x128xf32, #tpu.memory_space<hbm>>
        %dma_wait3A_431 = arith.constant 0 : i32
        %dma_wait3A_432 = tpu.memref_slice %arg8[%add3A_424, %dma_wait3A_431] : memref<819200x128xf32, #tpu.memory_space<hbm>> -> memref<256x128xf32, #tpu.memory_space<hbm>>
        %dma_wait3A_433 = arith.constant 0 : i32
        %dma_wait3A_434 = arith.constant 0 : i32
        %dma_wait3A_435 = tpu.memref_slice %arg10[%rem3A_307, %dma_wait3A_433, %dma_wait3A_434] : memref<3x256x128xf32, #tpu.memory_space<vmem>> -> memref<1x256x128xf32, #tpu.memory_space<vmem>>
        %dma_wait3A_436 = tpu.memref_squeeze %dma_wait3A_435 : memref<1x256x128xf32, #tpu.memory_space<vmem>> -> memref<256x128xf32, #tpu.memory_space<vmem>>
        tpu.wait_dma2 semaphore(%arg15 : memref<!tpu.dma_semaphore, #tpu.memory_space<semaphore_mem>>) src(%dma_wait3A_436 : memref<256x128xf32, #tpu.memory_space<vmem>>) dst(%dma_wait3A_432 : memref<256x128xf32, #tpu.memory_space<hbm>>)
      } else {
      }
      %add3A_313 = arith.constant 1 : i32
      %add3A_314 = arith.addi %scan3A_301, %add3A_313 : i32
      %min3A_315 = arith.constant 99 : i32
      %min3A_316 = arith.minsi %add3A_314, %min3A_315 : i32
      %add3A_317 = arith.addi %mul3A_4, %min3A_316 : i32
      %dma_wait3A_318 = arith.constant 0 : i32
      %dma_wait3A_319 = arith.constant 0 : i32
      %dma_wait3A_320 = tpu.memref_slice %arg9[%rem3A_307, %dma_wait3A_318, %dma_wait3A_319] : memref<3x2x256xi32, #tpu.memory_space<vmem>> -> memref<1x2x256xi32, #tpu.memory_space<vmem>>
      %dma_wait3A_321 = tpu.memref_squeeze %dma_wait3A_320 : memref<1x2x256xi32, #tpu.memory_space<vmem>> -> memref<2x256xi32, #tpu.memory_space<vmem>>
      %dma_wait3A_322 = arith.constant 0 : i32
      %dma_wait3A_323 = arith.constant 0 : i32
      %dma_wait3A_324 = tpu.memref_slice %arg2[%add3A_317, %dma_wait3A_322, %dma_wait3A_323] : memref<3200x2x256xi32, #tpu.memory_space<hbm>> -> memref<1x2x256xi32, #tpu.memory_space<hbm>>
      %dma_wait3A_325 = tpu.memref_squeeze %dma_wait3A_324 : memref<1x2x256xi32, #tpu.memory_space<hbm>> -> memref<2x256xi32, #tpu.memory_space<hbm>>
      %dma_wait3A_326 = arith.constant 0 : i32
      %dma_wait3A_327 = arith.constant 0 : i32
      %dma_wait3A_328 = tpu.memref_slice %arg9[%rem3A_307, %dma_wait3A_326, %dma_wait3A_327] : memref<3x2x256xi32, #tpu.memory_space<vmem>> -> memref<1x2x256xi32, #tpu.memory_space<vmem>>
      %dma_wait3A_329 = tpu.memref_squeeze %dma_wait3A_328 : memref<1x2x256xi32, #tpu.memory_space<vmem>> -> memref<2x256xi32, #tpu.memory_space<vmem>>
      %dma_wait3A_330 = arith.constant 0 : i32
      %dma_wait3A_331 = arith.constant 0 : i32
      %dma_wait3A_332 = tpu.memref_slice %arg2[%add3A_317, %dma_wait3A_330, %dma_wait3A_331] : memref<3200x2x256xi32, #tpu.memory_space<hbm>> -> memref<1x2x256xi32, #tpu.memory_space<hbm>>
      %dma_wait3A_333 = tpu.memref_squeeze %dma_wait3A_332 : memref<1x2x256xi32, #tpu.memory_space<hbm>> -> memref<2x256xi32, #tpu.memory_space<hbm>>
      tpu.wait_dma2 semaphore(%arg13 : memref<!tpu.dma_semaphore, #tpu.memory_space<semaphore_mem>>) src(%dma_wait3A_333 : memref<2x256xi32, #tpu.memory_space<hbm>>) dst(%dma_wait3A_329 : memref<2x256xi32, #tpu.memory_space<vmem>>)
      %dma_start3A_334 = arith.constant 0 : i32
      %dma_start3A_335 = arith.constant 0 : i32
      %dma_start3A_336 = arith.constant 0 : i32
      %dma_start3A_337 = tpu.memref_slice %arg10[%rem3A_307, %dma_start3A_335, %dma_start3A_336] : memref<3x256x128xf32, #tpu.memory_space<vmem>> -> memref<1x128x128xf32, #tpu.memory_space<vmem>>
      %dma_start3A_338 = tpu.memref_squeeze %dma_start3A_337 : memref<1x128x128xf32, #tpu.memory_space<vmem>> -> memref<128x128xf32, #tpu.memory_space<vmem>>
      %dma_start3A_339 = arith.constant 0 : i32
      %dma_start3A_340 = tpu.memref_slice %arg9[%rem3A_307, %dma_start3A_334, %dma_start3A_339] : memref<3x2x256xi32, #tpu.memory_space<vmem>> -> memref<1x1x128xi32, #tpu.memory_space<vmem>>
      %dma_start3A_341 = tpu.memref_squeeze %dma_start3A_340 : memref<1x1x128xi32, #tpu.memory_space<vmem>> -> memref<128xi32, #tpu.memory_space<vmem>>
      %dma_start3A_342 = arith.constant 0 : i32
      %dma_start3A_343 = arith.constant 0 : i32
      %dma_start3A_344 = tpu.memref_slice %arg3[%dma_start3A_342, %dma_start3A_343] : memref<100000x128xf32, #tpu.memory_space<hbm>> -> memref<100000x128xf32, #tpu.memory_space<hbm>>
      tpu.enqueue_indirect_dma source(%dma_start3A_344 : memref<100000x128xf32, #tpu.memory_space<hbm>>) target(%dma_start3A_338 : memref<128x128xf32, #tpu.memory_space<vmem>>) offsets(%dma_start3A_341 : memref<128xi32, #tpu.memory_space<vmem>>) semaphore(%arg14 : memref<!tpu.dma_semaphore, #tpu.memory_space<semaphore_mem>>)
      %dma_start3A_345 = arith.constant 0 : i32
      %dma_start3A_346 = arith.constant 128 : i32
      %dma_start3A_347 = arith.constant 0 : i32
      %dma_start3A_348 = tpu.memref_slice %arg10[%rem3A_307, %dma_start3A_346, %dma_start3A_347] : memref<3x256x128xf32, #tpu.memory_space<vmem>> -> memref<1x128x128xf32, #tpu.memory_space<vmem>>
      %dma_start3A_349 = tpu.memref_squeeze %dma_start3A_348 : memref<1x128x128xf32, #tpu.memory_space<vmem>> -> memref<128x128xf32, #tpu.memory_space<vmem>>
      %dma_start3A_350 = arith.constant 128 : i32
      %dma_start3A_351 = tpu.memref_slice %arg9[%rem3A_307, %dma_start3A_345, %dma_start3A_350] : memref<3x2x256xi32, #tpu.memory_space<vmem>> -> memref<1x1x128xi32, #tpu.memory_space<vmem>>
      %dma_start3A_352 = tpu.memref_squeeze %dma_start3A_351 : memref<1x1x128xi32, #tpu.memory_space<vmem>> -> memref<128xi32, #tpu.memory_space<vmem>>
      %dma_start3A_353 = arith.constant 0 : i32
      %dma_start3A_354 = arith.constant 0 : i32
      %dma_start3A_355 = tpu.memref_slice %arg3[%dma_start3A_353, %dma_start3A_354] : memref<100000x128xf32, #tpu.memory_space<hbm>> -> memref<100000x128xf32, #tpu.memory_space<hbm>>
      tpu.enqueue_indirect_dma source(%dma_start3A_355 : memref<100000x128xf32, #tpu.memory_space<hbm>>) target(%dma_start3A_349 : memref<128x128xf32, #tpu.memory_space<vmem>>) offsets(%dma_start3A_352 : memref<128xi32, #tpu.memory_space<vmem>>) semaphore(%arg14 : memref<!tpu.dma_semaphore, #tpu.memory_space<semaphore_mem>>)
      %add3A_356 = arith.constant 2 : i32
      %add3A_357 = arith.addi %scan3A_301, %add3A_356 : i32
      %add3A_358 = arith.constant 2 : i32
      %add3A_359 = arith.addi %scan3A_301, %add3A_358 : i32
      %rem3A_360 = arith.constant 3 : i32
      %rem3A_361 = arith.remsi %add3A_359, %rem3A_360 : i32
      %min3A_362 = arith.constant 99 : i32
      %min3A_363 = arith.minsi %add3A_357, %min3A_362 : i32
      %add3A_364 = arith.addi %mul3A_4, %min3A_363 : i32
      %dma_start3A_365 = arith.constant 0 : i32
      %dma_start3A_366 = arith.constant 0 : i32
      %dma_start3A_367 = tpu.memref_slice %arg9[%rem3A_361, %dma_start3A_365, %dma_start3A_366] : memref<3x2x256xi32, #tpu.memory_space<vmem>> -> memref<1x2x256xi32, #tpu.memory_space<vmem>>
      %dma_start3A_368 = tpu.memref_squeeze %dma_start3A_367 : memref<1x2x256xi32, #tpu.memory_space<vmem>> -> memref<2x256xi32, #tpu.memory_space<vmem>>
      %dma_start3A_369 = arith.constant 0 : i32
      %dma_start3A_370 = arith.constant 0 : i32
      %dma_start3A_371 = tpu.memref_slice %arg2[%add3A_364, %dma_start3A_369, %dma_start3A_370] : memref<3200x2x256xi32, #tpu.memory_space<hbm>> -> memref<1x2x256xi32, #tpu.memory_space<hbm>>
      %dma_start3A_372 = tpu.memref_squeeze %dma_start3A_371 : memref<1x2x256xi32, #tpu.memory_space<hbm>> -> memref<2x256xi32, #tpu.memory_space<hbm>>
      %dma_start3A_373 = arith.constant 0 : i32
      %dma_start3A_374 = arith.constant 0 : i32
      %dma_start3A_375 = tpu.memref_slice %arg9[%rem3A_361, %dma_start3A_373, %dma_start3A_374] : memref<3x2x256xi32, #tpu.memory_space<vmem>> -> memref<1x2x256xi32, #tpu.memory_space<vmem>>
      %dma_start3A_376 = tpu.memref_squeeze %dma_start3A_375 : memref<1x2x256xi32, #tpu.memory_space<vmem>> -> memref<2x256xi32, #tpu.memory_space<vmem>>
      %dma_start3A_377 = arith.constant 0 : i32
      %dma_start3A_378 = arith.constant 0 : i32
      %dma_start3A_379 = tpu.memref_slice %arg2[%add3A_364, %dma_start3A_377, %dma_start3A_378] : memref<3200x2x256xi32, #tpu.memory_space<hbm>> -> memref<1x2x256xi32, #tpu.memory_space<hbm>>
      %dma_start3A_380 = tpu.memref_squeeze %dma_start3A_379 : memref<1x2x256xi32, #tpu.memory_space<hbm>> -> memref<2x256xi32, #tpu.memory_space<hbm>>
      tpu.enqueue_dma source(%dma_start3A_380 : memref<2x256xi32, #tpu.memory_space<hbm>>) target(%dma_start3A_376 : memref<2x256xi32, #tpu.memory_space<vmem>>) target_semaphore(%arg13 : memref<!tpu.dma_semaphore, #tpu.memory_space<semaphore_mem>>)
      %dma_wait3A_381 = arith.constant 0 : i32
      %dma_wait3A_382 = arith.constant 0 : i32
      %dma_wait3A_383 = arith.constant 0 : i32
      %dma_wait3A_384 = tpu.memref_slice %arg10[%rem3A_303, %dma_wait3A_382, %dma_wait3A_383] : memref<3x256x128xf32, #tpu.memory_space<vmem>> -> memref<1x128x128xf32, #tpu.memory_space<vmem>>
      %dma_wait3A_385 = tpu.memref_squeeze %dma_wait3A_384 : memref<1x128x128xf32, #tpu.memory_space<vmem>> -> memref<128x128xf32, #tpu.memory_space<vmem>>
      %dma_wait3A_386 = arith.constant 0 : i32
      %dma_wait3A_387 = tpu.memref_slice %arg9[%rem3A_303, %dma_wait3A_381, %dma_wait3A_386] : memref<3x2x256xi32, #tpu.memory_space<vmem>> -> memref<1x1x128xi32, #tpu.memory_space<vmem>>
      %dma_wait3A_388 = tpu.memref_squeeze %dma_wait3A_387 : memref<1x1x128xi32, #tpu.memory_space<vmem>> -> memref<128xi32, #tpu.memory_space<vmem>>
      %dma_wait3A_389 = arith.constant 0 : i32
      %dma_wait3A_390 = arith.constant 0 : i32
      %dma_wait3A_391 = tpu.memref_slice %arg3[%dma_wait3A_389, %dma_wait3A_390] : memref<100000x128xf32, #tpu.memory_space<hbm>> -> memref<100000x128xf32, #tpu.memory_space<hbm>>
      tpu.wait_indirect_dma semaphore(%arg14 : memref<!tpu.dma_semaphore, #tpu.memory_space<semaphore_mem>>) src(%dma_wait3A_391 : memref<100000x128xf32, #tpu.memory_space<hbm>>) dst(%dma_wait3A_385 : memref<128x128xf32, #tpu.memory_space<vmem>>)
      %dma_wait3A_392 = arith.constant 0 : i32
      %dma_wait3A_393 = arith.constant 128 : i32
      %dma_wait3A_394 = arith.constant 0 : i32
      %dma_wait3A_395 = tpu.memref_slice %arg10[%rem3A_303, %dma_wait3A_393, %dma_wait3A_394] : memref<3x256x128xf32, #tpu.memory_space<vmem>> -> memref<1x128x128xf32, #tpu.memory_space<vmem>>
      %dma_wait3A_396 = tpu.memref_squeeze %dma_wait3A_395 : memref<1x128x128xf32, #tpu.memory_space<vmem>> -> memref<128x128xf32, #tpu.memory_space<vmem>>
      %dma_wait3A_397 = arith.constant 128 : i32
      %dma_wait3A_398 = tpu.memref_slice %arg9[%rem3A_303, %dma_wait3A_392, %dma_wait3A_397] : memref<3x2x256xi32, #tpu.memory_space<vmem>> -> memref<1x1x128xi32, #tpu.memory_space<vmem>>
      %dma_wait3A_399 = tpu.memref_squeeze %dma_wait3A_398 : memref<1x1x128xi32, #tpu.memory_space<vmem>> -> memref<128xi32, #tpu.memory_space<vmem>>
      %dma_wait3A_400 = arith.constant 0 : i32
      %dma_wait3A_401 = arith.constant 0 : i32
      %dma_wait3A_402 = tpu.memref_slice %arg3[%dma_wait3A_400, %dma_wait3A_401] : memref<100000x128xf32, #tpu.memory_space<hbm>> -> memref<100000x128xf32, #tpu.memory_space<hbm>>
      tpu.wait_indirect_dma semaphore(%arg14 : memref<!tpu.dma_semaphore, #tpu.memory_space<semaphore_mem>>) src(%dma_wait3A_402 : memref<100000x128xf32, #tpu.memory_space<hbm>>) dst(%dma_wait3A_396 : memref<128x128xf32, #tpu.memory_space<vmem>>)
      %scan3A_403 = arith.constant 0 : i32
      %scan3A_404 = arith.constant 0 : i32
      %scan3A_405 = arith.constant 16 : i32
      %scan3A_406 = arith.addi %scan3A_404, %scan3A_405 : i32
      %scan3A_407 = arith.constant 1 : i32
      scf.for %scan3A_421 = %scan3A_404 to %scan3A_406 step %scan3A_407  : i32 {
        %mul3A_422 = arith.constant 16 : i32
        %mul3A_423 = arith.muli %scan3A_421, %mul3A_422 : i32
        %get3A_424 = arith.constant 1 : i32
        %get3A_425 = arith.index_cast %rem3A_303 : i32 to index
        %get3A_426 = arith.index_cast %get3A_424 : i32 to index
        %get3A_427 = arith.index_cast %mul3A_423 : i32 to index
        %get3A_428 = tpu.vector_load %arg9[%get3A_425, %get3A_426, %get3A_427] {strides = array<i32>} : memref<3x2x256xi32, #tpu.memory_space<vmem>>, vector<1x1x16xi32>,
        %get3A_429 = vector.shape_cast %get3A_428 : vector<1x1x16xi32> to vector<16xi32>
        %mul3A_430 = arith.constant 16 : i32
        %mul3A_431 = arith.muli %scan3A_421, %mul3A_430 : i32
        %add3A_432 = arith.addi %add3A_310, %mul3A_431 : i32
        %parallel_loop3A = arith.constant 0 : i32
        %parallel_loop3A_433 = arith.constant 16 : i32
        %parallel_loop3A_434 = arith.constant 1 : i32
        scf.for %parallel_loop3A_435 = %parallel_loop3A to %parallel_loop3A_433 step %parallel_loop3A_434  : i32 {
          %parallel_loop3A_436 = arith.constant 16 : i32
          %parallel_loop3A_437 = arith.muli %scan3A_421, %parallel_loop3A_436 : i32
          %parallel_loop3A_438 = arith.addi %parallel_loop3A_437, %parallel_loop3A_435 : i32
          %parallel_loop3A_439 = arith.addi %add3A_432, %parallel_loop3A_435 : i32
          %parallel_loop3A_440 = arith.constant 200 : i32
          %parallel_loop3A_441 = arith.remsi %parallel_loop3A_439, %parallel_loop3A_440 : i32
          %parallel_loop3A_442 = vector.broadcast %parallel_loop3A_435 : i32 to vector<16xi32>
          %parallel_loop3A_443 = vector.shape_cast %parallel_loop3A_442 : vector<16xi32> to vector<16x1xi32>
          %parallel_loop3A_444 = vector.shape_cast %parallel_loop3A_443 : vector<16x1xi32> to vector<16xi32>
          %parallel_loop3A_445 = tpu.dynamic_gather %get3A_429[%parallel_loop3A_444] in [0] : vector<16xi32>, vector<16xi32> -> vector<16xi32>
          %parallel_loop3A_446 = arith.sitofp %parallel_loop3A_445 : vector<16xi32> to vector<16xf32>
          %parallel_loop3A_447 = arith.index_cast %rem3A_303 : i32 to index
          %parallel_loop3A_448 = arith.index_cast %parallel_loop3A_438 : i32 to index
          %parallel_loop3A_449 = arith.constant 0 : index
          %parallel_loop3A_450 = tpu.vector_load %arg10[%parallel_loop3A_447, %parallel_loop3A_448, %parallel_loop3A_449] {strides = array<i32>} : memref<3x256x128xf32, #tpu.memory_space<vmem>>, vector<1x1x16xf32>,
          %parallel_loop3A_451 = vector.shape_cast %parallel_loop3A_450 : vector<1x1x16xf32> to vector<16xf32>
          %parallel_loop3A_452 = arith.index_cast %parallel_loop3A_441 : i32 to index
          %parallel_loop3A_453 = arith.constant 0 : index
          %parallel_loop3A_454 = tpu.vector_load %arg11[%parallel_loop3A_452, %parallel_loop3A_453] {strides = array<i32>} : memref<200x128xf32, #tpu.memory_space<vmem>>, vector<1x16xf32>,
          %parallel_loop3A_455 = vector.shape_cast %parallel_loop3A_454 : vector<1x16xf32> to vector<16xf32>
          %parallel_loop3A_456 = arith.addf %parallel_loop3A_451, %parallel_loop3A_455 : vector<16xf32>
          %parallel_loop3A_457 = arith.mulf %parallel_loop3A_446, %get3A_90 : vector<16xf32>
          %parallel_loop3A_458 = arith.addf %parallel_loop3A_456, %parallel_loop3A_457 : vector<16xf32>
          %parallel_loop3A_459 = arith.index_cast %rem3A_303 : i32 to index
          %parallel_loop3A_460 = arith.index_cast %parallel_loop3A_438 : i32 to index
          %parallel_loop3A_461 = arith.constant 16 : index
          %parallel_loop3A_462 = tpu.vector_load %arg10[%parallel_loop3A_459, %parallel_loop3A_460, %parallel_loop3A_461] {strides = array<i32>} : memref<3x256x128xf32, #tpu.memory_space<vmem>>, vector<1x1x16xf32>,
          %parallel_loop3A_463 = vector.shape_cast %parallel_loop3A_462 : vector<1x1x16xf32> to vector<16xf32>
          %parallel_loop3A_464 = arith.index_cast %parallel_loop3A_441 : i32 to index
          %parallel_loop3A_465 = arith.constant 16 : index
          %parallel_loop3A_466 = tpu.vector_load %arg11[%parallel_loop3A_464, %parallel_loop3A_465] {strides = array<i32>} : memref<200x128xf32, #tpu.memory_space<vmem>>, vector<1x16xf32>,
          %parallel_loop3A_467 = vector.shape_cast %parallel_loop3A_466 : vector<1x16xf32> to vector<16xf32>
          %parallel_loop3A_468 = arith.addf %parallel_loop3A_463, %parallel_loop3A_467 : vector<16xf32>
          %parallel_loop3A_469 = arith.mulf %parallel_loop3A_446, %get3A_95 : vector<16xf32>
          %parallel_loop3A_470 = arith.addf %parallel_loop3A_468, %parallel_loop3A_469 : vector<16xf32>
          %parallel_loop3A_471 = arith.index_cast %rem3A_303 : i32 to index
          %parallel_loop3A_472 = arith.index_cast %parallel_loop3A_438 : i32 to index
          %parallel_loop3A_473 = arith.constant 32 : index
          %parallel_loop3A_474 = tpu.vector_load %arg10[%parallel_loop3A_471, %parallel_loop3A_472, %parallel_loop3A_473] {strides = array<i32>} : memref<3x256x128xf32, #tpu.memory_space<vmem>>, vector<1x1x16xf32>,
          %parallel_loop3A_475 = vector.shape_cast %parallel_loop3A_474 : vector<1x1x16xf32> to vector<16xf32>
          %parallel_loop3A_476 = arith.index_cast %parallel_loop3A_441 : i32 to index
          %parallel_loop3A_477 = arith.constant 32 : index
          %parallel_loop3A_478 = tpu.vector_load %arg11[%parallel_loop3A_476, %parallel_loop3A_477] {strides = array<i32>} : memref<200x128xf32, #tpu.memory_space<vmem>>, vector<1x16xf32>,
          %parallel_loop3A_479 = vector.shape_cast %parallel_loop3A_478 : vector<1x16xf32> to vector<16xf32>
          %parallel_loop3A_480 = arith.addf %parallel_loop3A_475, %parallel_loop3A_479 : vector<16xf32>
          %parallel_loop3A_481 = arith.mulf %parallel_loop3A_446, %get3A_100 : vector<16xf32>
          %parallel_loop3A_482 = arith.addf %parallel_loop3A_480, %parallel_loop3A_481 : vector<16xf32>
          %parallel_loop3A_483 = arith.index_cast %rem3A_303 : i32 to index
          %parallel_loop3A_484 = arith.index_cast %parallel_loop3A_438 : i32 to index
          %parallel_loop3A_485 = arith.constant 48 : index
          %parallel_loop3A_486 = tpu.vector_load %arg10[%parallel_loop3A_483, %parallel_loop3A_484, %parallel_loop3A_485] {strides = array<i32>} : memref<3x256x128xf32, #tpu.memory_space<vmem>>, vector<1x1x16xf32>,
          %parallel_loop3A_487 = vector.shape_cast %parallel_loop3A_486 : vector<1x1x16xf32> to vector<16xf32>
          %parallel_loop3A_488 = arith.index_cast %parallel_loop3A_441 : i32 to index
          %parallel_loop3A_489 = arith.constant 48 : index
          %parallel_loop3A_490 = tpu.vector_load %arg11[%parallel_loop3A_488, %parallel_loop3A_489] {strides = array<i32>} : memref<200x128xf32, #tpu.memory_space<vmem>>, vector<1x16xf32>,
          %parallel_loop3A_491 = vector.shape_cast %parallel_loop3A_490 : vector<1x16xf32> to vector<16xf32>
          %parallel_loop3A_492 = arith.addf %parallel_loop3A_487, %parallel_loop3A_491 : vector<16xf32>
          %parallel_loop3A_493 = arith.mulf %parallel_loop3A_446, %get3A_105 : vector<16xf32>
          %parallel_loop3A_494 = arith.addf %parallel_loop3A_492, %parallel_loop3A_493 : vector<16xf32>
          %parallel_loop3A_495 = arith.index_cast %rem3A_303 : i32 to index
          %parallel_loop3A_496 = arith.index_cast %parallel_loop3A_438 : i32 to index
          %parallel_loop3A_497 = arith.constant 64 : index
          %parallel_loop3A_498 = tpu.vector_load %arg10[%parallel_loop3A_495, %parallel_loop3A_496, %parallel_loop3A_497] {strides = array<i32>} : memref<3x256x128xf32, #tpu.memory_space<vmem>>, vector<1x1x16xf32>,
          %parallel_loop3A_499 = vector.shape_cast %parallel_loop3A_498 : vector<1x1x16xf32> to vector<16xf32>
          %parallel_loop3A_500 = arith.index_cast %parallel_loop3A_441 : i32 to index
          %parallel_loop3A_501 = arith.constant 64 : index
          %parallel_loop3A_502 = tpu.vector_load %arg11[%parallel_loop3A_500, %parallel_loop3A_501] {strides = array<i32>} : memref<200x128xf32, #tpu.memory_space<vmem>>, vector<1x16xf32>,
          %parallel_loop3A_503 = vector.shape_cast %parallel_loop3A_502 : vector<1x16xf32> to vector<16xf32>
          %parallel_loop3A_504 = arith.addf %parallel_loop3A_499, %parallel_loop3A_503 : vector<16xf32>
          %parallel_loop3A_505 = arith.mulf %parallel_loop3A_446, %get3A_110 : vector<16xf32>
          %parallel_loop3A_506 = arith.addf %parallel_loop3A_504, %parallel_loop3A_505 : vector<16xf32>
          %parallel_loop3A_507 = arith.index_cast %rem3A_303 : i32 to index
          %parallel_loop3A_508 = arith.index_cast %parallel_loop3A_438 : i32 to index
          %parallel_loop3A_509 = arith.constant 80 : index
          %parallel_loop3A_510 = tpu.vector_load %arg10[%parallel_loop3A_507, %parallel_loop3A_508, %parallel_loop3A_509] {strides = array<i32>} : memref<3x256x128xf32, #tpu.memory_space<vmem>>, vector<1x1x16xf32>,
          %parallel_loop3A_511 = vector.shape_cast %parallel_loop3A_510 : vector<1x1x16xf32> to vector<16xf32>
          %parallel_loop3A_512 = arith.index_cast %parallel_loop3A_441 : i32 to index
          %parallel_loop3A_513 = arith.constant 80 : index
          %parallel_loop3A_514 = tpu.vector_load %arg11[%parallel_loop3A_512, %parallel_loop3A_513] {strides = array<i32>} : memref<200x128xf32, #tpu.memory_space<vmem>>, vector<1x16xf32>,
          %parallel_loop3A_515 = vector.shape_cast %parallel_loop3A_514 : vector<1x16xf32> to vector<16xf32>
          %parallel_loop3A_516 = arith.addf %parallel_loop3A_511, %parallel_loop3A_515 : vector<16xf32>
          %parallel_loop3A_517 = arith.mulf %parallel_loop3A_446, %get3A_115 : vector<16xf32>
          %parallel_loop3A_518 = arith.addf %parallel_loop3A_516, %parallel_loop3A_517 : vector<16xf32>
          %parallel_loop3A_519 = arith.index_cast %rem3A_303 : i32 to index
          %parallel_loop3A_520 = arith.index_cast %parallel_loop3A_438 : i32 to index
          %parallel_loop3A_521 = arith.constant 96 : index
          %parallel_loop3A_522 = tpu.vector_load %arg10[%parallel_loop3A_519, %parallel_loop3A_520, %parallel_loop3A_521] {strides = array<i32>} : memref<3x256x128xf32, #tpu.memory_space<vmem>>, vector<1x1x16xf32>,
          %parallel_loop3A_523 = vector.shape_cast %parallel_loop3A_522 : vector<1x1x16xf32> to vector<16xf32>
          %parallel_loop3A_524 = arith.index_cast %parallel_loop3A_441 : i32 to index
          %parallel_loop3A_525 = arith.constant 96 : index
          %parallel_loop3A_526 = tpu.vector_load %arg11[%parallel_loop3A_524, %parallel_loop3A_525] {strides = array<i32>} : memref<200x128xf32, #tpu.memory_space<vmem>>, vector<1x16xf32>,
          %parallel_loop3A_527 = vector.shape_cast %parallel_loop3A_526 : vector<1x16xf32> to vector<16xf32>
          %parallel_loop3A_528 = arith.addf %parallel_loop3A_523, %parallel_loop3A_527 : vector<16xf32>
          %parallel_loop3A_529 = arith.mulf %parallel_loop3A_446, %get3A_120 : vector<16xf32>
          %parallel_loop3A_530 = arith.addf %parallel_loop3A_528, %parallel_loop3A_529 : vector<16xf32>
          %parallel_loop3A_531 = arith.index_cast %rem3A_303 : i32 to index
          %parallel_loop3A_532 = arith.index_cast %parallel_loop3A_438 : i32 to index
          %parallel_loop3A_533 = arith.constant 112 : index
          %parallel_loop3A_534 = tpu.vector_load %arg10[%parallel_loop3A_531, %parallel_loop3A_532, %parallel_loop3A_533] {strides = array<i32>} : memref<3x256x128xf32, #tpu.memory_space<vmem>>, vector<1x1x16xf32>,
          %parallel_loop3A_535 = vector.shape_cast %parallel_loop3A_534 : vector<1x1x16xf32> to vector<16xf32>
          %parallel_loop3A_536 = arith.index_cast %parallel_loop3A_441 : i32 to index
          %parallel_loop3A_537 = arith.constant 112 : index
          %parallel_loop3A_538 = tpu.vector_load %arg11[%parallel_loop3A_536, %parallel_loop3A_537] {strides = array<i32>} : memref<200x128xf32, #tpu.memory_space<vmem>>, vector<1x16xf32>,
          %parallel_loop3A_539 = vector.shape_cast %parallel_loop3A_538 : vector<1x16xf32> to vector<16xf32>
          %parallel_loop3A_540 = arith.addf %parallel_loop3A_535, %parallel_loop3A_539 : vector<16xf32>
          %parallel_loop3A_541 = arith.mulf %parallel_loop3A_446, %get3A_125 : vector<16xf32>
          %parallel_loop3A_542 = arith.addf %parallel_loop3A_540, %parallel_loop3A_541 : vector<16xf32>
          %parallel_loop3A_543 = arith.mulf %parallel_loop3A_458, %parallel_loop3A_458 : vector<16xf32>
          %parallel_loop3A_544 = arith.addf %parallel_loop3A_458, %parallel_loop3A_470 : vector<16xf32>
          %parallel_loop3A_545 = arith.mulf %parallel_loop3A_470, %parallel_loop3A_470 : vector<16xf32>
          %parallel_loop3A_546 = arith.addf %parallel_loop3A_543, %parallel_loop3A_545 : vector<16xf32>
          %parallel_loop3A_547 = arith.addf %parallel_loop3A_544, %parallel_loop3A_482 : vector<16xf32>
          %parallel_loop3A_548 = arith.mulf %parallel_loop3A_482, %parallel_loop3A_482 : vector<16xf32>
          %parallel_loop3A_549 = arith.addf %parallel_loop3A_546, %parallel_loop3A_548 : vector<16xf32>
          %parallel_loop3A_550 = arith.addf %parallel_loop3A_547, %parallel_loop3A_494 : vector<16xf32>
          %parallel_loop3A_551 = arith.mulf %parallel_loop3A_494, %parallel_loop3A_494 : vector<16xf32>
          %parallel_loop3A_552 = arith.addf %parallel_loop3A_549, %parallel_loop3A_551 : vector<16xf32>
          %parallel_loop3A_553 = arith.addf %parallel_loop3A_550, %parallel_loop3A_506 : vector<16xf32>
          %parallel_loop3A_554 = arith.mulf %parallel_loop3A_506, %parallel_loop3A_506 : vector<16xf32>
          %parallel_loop3A_555 = arith.addf %parallel_loop3A_552, %parallel_loop3A_554 : vector<16xf32>
          %parallel_loop3A_556 = arith.addf %parallel_loop3A_553, %parallel_loop3A_518 : vector<16xf32>
          %parallel_loop3A_557 = arith.mulf %parallel_loop3A_518, %parallel_loop3A_518 : vector<16xf32>
          %parallel_loop3A_558 = arith.addf %parallel_loop3A_555, %parallel_loop3A_557 : vector<16xf32>
          %parallel_loop3A_559 = arith.addf %parallel_loop3A_556, %parallel_loop3A_530 : vector<16xf32>
          %parallel_loop3A_560 = arith.mulf %parallel_loop3A_530, %parallel_loop3A_530 : vector<16xf32>
          %parallel_loop3A_561 = arith.addf %parallel_loop3A_558, %parallel_loop3A_560 : vector<16xf32>
          %parallel_loop3A_562 = arith.addf %parallel_loop3A_559, %parallel_loop3A_542 : vector<16xf32>
          %parallel_loop3A_563 = arith.mulf %parallel_loop3A_542, %parallel_loop3A_542 : vector<16xf32>
          %parallel_loop3A_564 = arith.addf %parallel_loop3A_561, %parallel_loop3A_563 : vector<16xf32>
          %parallel_loop3A_565 = tpu.iota {dimensions = array<i32: 0>} : vector<16xi32>
          %parallel_loop3A_566 = arith.constant 1 : i32
          %parallel_loop3A_567 = vector.broadcast %parallel_loop3A_566 : i32 to vector<16xi32>
          %parallel_loop3A_568 = arith.xori %parallel_loop3A_565, %parallel_loop3A_567 : vector<16xi32>
          %parallel_loop3A_569 = vector.shape_cast %parallel_loop3A_568 : vector<16xi32> to vector<16x1xi32>
          %parallel_loop3A_570 = vector.shape_cast %parallel_loop3A_569 : vector<16x1xi32> to vector<16xi32>
          %parallel_loop3A_571 = tpu.dynamic_gather %parallel_loop3A_562[%parallel_loop3A_570] in [0] : vector<16xf32>, vector<16xi32> -> vector<16xf32>
          %parallel_loop3A_572 = arith.addf %parallel_loop3A_562, %parallel_loop3A_571 : vector<16xf32>
          %parallel_loop3A_573 = tpu.iota {dimensions = array<i32: 0>} : vector<16xi32>
          %parallel_loop3A_574 = arith.constant 2 : i32
          %parallel_loop3A_575 = vector.broadcast %parallel_loop3A_574 : i32 to vector<16xi32>
          %parallel_loop3A_576 = arith.xori %parallel_loop3A_573, %parallel_loop3A_575 : vector<16xi32>
          %parallel_loop3A_577 = vector.shape_cast %parallel_loop3A_576 : vector<16xi32> to vector<16x1xi32>
          %parallel_loop3A_578 = vector.shape_cast %parallel_loop3A_577 : vector<16x1xi32> to vector<16xi32>
          %parallel_loop3A_579 = tpu.dynamic_gather %parallel_loop3A_572[%parallel_loop3A_578] in [0] : vector<16xf32>, vector<16xi32> -> vector<16xf32>
          %parallel_loop3A_580 = arith.addf %parallel_loop3A_572, %parallel_loop3A_579 : vector<16xf32>
          %parallel_loop3A_581 = tpu.iota {dimensions = array<i32: 0>} : vector<16xi32>
          %parallel_loop3A_582 = arith.constant 4 : i32
          %parallel_loop3A_583 = vector.broadcast %parallel_loop3A_582 : i32 to vector<16xi32>
          %parallel_loop3A_584 = arith.xori %parallel_loop3A_581, %parallel_loop3A_583 : vector<16xi32>
          %parallel_loop3A_585 = vector.shape_cast %parallel_loop3A_584 : vector<16xi32> to vector<16x1xi32>
          %parallel_loop3A_586 = vector.shape_cast %parallel_loop3A_585 : vector<16x1xi32> to vector<16xi32>
          %parallel_loop3A_587 = tpu.dynamic_gather %parallel_loop3A_580[%parallel_loop3A_586] in [0] : vector<16xf32>, vector<16xi32> -> vector<16xf32>
          %parallel_loop3A_588 = arith.addf %parallel_loop3A_580, %parallel_loop3A_587 : vector<16xf32>
          %parallel_loop3A_589 = tpu.iota {dimensions = array<i32: 0>} : vector<16xi32>
          %parallel_loop3A_590 = arith.constant 8 : i32
          %parallel_loop3A_591 = vector.broadcast %parallel_loop3A_590 : i32 to vector<16xi32>
          %parallel_loop3A_592 = arith.xori %parallel_loop3A_589, %parallel_loop3A_591 : vector<16xi32>
          %parallel_loop3A_593 = vector.shape_cast %parallel_loop3A_592 : vector<16xi32> to vector<16x1xi32>
          %parallel_loop3A_594 = vector.shape_cast %parallel_loop3A_593 : vector<16x1xi32> to vector<16xi32>
          %parallel_loop3A_595 = tpu.dynamic_gather %parallel_loop3A_588[%parallel_loop3A_594] in [0] : vector<16xf32>, vector<16xi32> -> vector<16xf32>
          %parallel_loop3A_596 = arith.addf %parallel_loop3A_588, %parallel_loop3A_595 : vector<16xf32>
          %parallel_loop3A_597 = tpu.iota {dimensions = array<i32: 0>} : vector<16xi32>
          %parallel_loop3A_598 = arith.constant 1 : i32
          %parallel_loop3A_599 = vector.broadcast %parallel_loop3A_598 : i32 to vector<16xi32>
          %parallel_loop3A_600 = arith.xori %parallel_loop3A_597, %parallel_loop3A_599 : vector<16xi32>
          %parallel_loop3A_601 = vector.shape_cast %parallel_loop3A_600 : vector<16xi32> to vector<16x1xi32>
          %parallel_loop3A_602 = vector.shape_cast %parallel_loop3A_601 : vector<16x1xi32> to vector<16xi32>
          %parallel_loop3A_603 = tpu.dynamic_gather %parallel_loop3A_564[%parallel_loop3A_602] in [0] : vector<16xf32>, vector<16xi32> -> vector<16xf32>
          %parallel_loop3A_604 = arith.addf %parallel_loop3A_564, %parallel_loop3A_603 : vector<16xf32>
          %parallel_loop3A_605 = tpu.iota {dimensions = array<i32: 0>} : vector<16xi32>
          %parallel_loop3A_606 = arith.constant 2 : i32
          %parallel_loop3A_607 = vector.broadcast %parallel_loop3A_606 : i32 to vector<16xi32>
          %parallel_loop3A_608 = arith.xori %parallel_loop3A_605, %parallel_loop3A_607 : vector<16xi32>
          %parallel_loop3A_609 = vector.shape_cast %parallel_loop3A_608 : vector<16xi32> to vector<16x1xi32>
          %parallel_loop3A_610 = vector.shape_cast %parallel_loop3A_609 : vector<16x1xi32> to vector<16xi32>
          %parallel_loop3A_611 = tpu.dynamic_gather %parallel_loop3A_604[%parallel_loop3A_610] in [0] : vector<16xf32>, vector<16xi32> -> vector<16xf32>
          %parallel_loop3A_612 = arith.addf %parallel_loop3A_604, %parallel_loop3A_611 : vector<16xf32>
          %parallel_loop3A_613 = tpu.iota {dimensions = array<i32: 0>} : vector<16xi32>
          %parallel_loop3A_614 = arith.constant 4 : i32
          %parallel_loop3A_615 = vector.broadcast %parallel_loop3A_614 : i32 to vector<16xi32>
          %parallel_loop3A_616 = arith.xori %parallel_loop3A_613, %parallel_loop3A_615 : vector<16xi32>
          %parallel_loop3A_617 = vector.shape_cast %parallel_loop3A_616 : vector<16xi32> to vector<16x1xi32>
          %parallel_loop3A_618 = vector.shape_cast %parallel_loop3A_617 : vector<16x1xi32> to vector<16xi32>
          %parallel_loop3A_619 = tpu.dynamic_gather %parallel_loop3A_612[%parallel_loop3A_618] in [0] : vector<16xf32>, vector<16xi32> -> vector<16xf32>
          %parallel_loop3A_620 = arith.addf %parallel_loop3A_612, %parallel_loop3A_619 : vector<16xf32>
          %parallel_loop3A_621 = tpu.iota {dimensions = array<i32: 0>} : vector<16xi32>
          %parallel_loop3A_622 = arith.constant 8 : i32
          %parallel_loop3A_623 = vector.broadcast %parallel_loop3A_622 : i32 to vector<16xi32>
          %parallel_loop3A_624 = arith.xori %parallel_loop3A_621, %parallel_loop3A_623 : vector<16xi32>
          %parallel_loop3A_625 = vector.shape_cast %parallel_loop3A_624 : vector<16xi32> to vector<16x1xi32>
          %parallel_loop3A_626 = vector.shape_cast %parallel_loop3A_625 : vector<16x1xi32> to vector<16xi32>
          %parallel_loop3A_627 = tpu.dynamic_gather %parallel_loop3A_620[%parallel_loop3A_626] in [0] : vector<16xf32>, vector<16xi32> -> vector<16xf32>
          %parallel_loop3A_628 = arith.addf %parallel_loop3A_620, %parallel_loop3A_627 : vector<16xf32>
          %parallel_loop3A_629 = arith.constant 7.812500e-03 : f32
          %parallel_loop3A_630 = vector.broadcast %parallel_loop3A_629 : f32 to vector<16xf32>
          %parallel_loop3A_631 = arith.mulf %parallel_loop3A_596, %parallel_loop3A_630 : vector<16xf32>
          %parallel_loop3A_632 = arith.constant 7.812500e-03 : f32
          %parallel_loop3A_633 = vector.broadcast %parallel_loop3A_632 : f32 to vector<16xf32>
          %parallel_loop3A_634 = arith.mulf %parallel_loop3A_628, %parallel_loop3A_633 : vector<16xf32>
          %parallel_loop3A_635 = arith.mulf %parallel_loop3A_631, %parallel_loop3A_631 : vector<16xf32>
          %parallel_loop3A_636 = arith.subf %parallel_loop3A_634, %parallel_loop3A_635 : vector<16xf32>
          %parallel_loop3A_637 = arith.constant 9.99999996E-13 : f32
          %parallel_loop3A_638 = vector.broadcast %parallel_loop3A_637 : f32 to vector<16xf32>
          %parallel_loop3A_639 = arith.addf %parallel_loop3A_636, %parallel_loop3A_638 : vector<16xf32>
          %parallel_loop3A_640 = tpu.bitcast %parallel_loop3A_639 : vector<16xf32> -> vector<16xi32>
          %parallel_loop3A_641 = arith.constant 1 : i32
          %parallel_loop3A_642 = vector.broadcast %parallel_loop3A_641 : i32 to vector<16xi32>
          %parallel_loop3A_643 = arith.shrsi %parallel_loop3A_640, %parallel_loop3A_642 : vector<16xi32>
          %parallel_loop3A_644 = arith.constant 1597463007 : i32
          %parallel_loop3A_645 = vector.broadcast %parallel_loop3A_644 : i32 to vector<16xi32>
          %parallel_loop3A_646 = arith.subi %parallel_loop3A_645, %parallel_loop3A_643 : vector<16xi32>
          %parallel_loop3A_647 = tpu.bitcast %parallel_loop3A_646 : vector<16xi32> -> vector<16xf32>
          %parallel_loop3A_648 = arith.constant 5.000000e-01 : f32
          %parallel_loop3A_649 = vector.broadcast %parallel_loop3A_648 : f32 to vector<16xf32>
          %parallel_loop3A_650 = arith.mulf %parallel_loop3A_649, %parallel_loop3A_639 : vector<16xf32>
          %parallel_loop3A_651 = arith.mulf %parallel_loop3A_650, %parallel_loop3A_647 : vector<16xf32>
          %parallel_loop3A_652 = arith.mulf %parallel_loop3A_651, %parallel_loop3A_647 : vector<16xf32>
          %parallel_loop3A_653 = arith.constant 1.500000e+00 : f32
          %parallel_loop3A_654 = vector.broadcast %parallel_loop3A_653 : f32 to vector<16xf32>
          %parallel_loop3A_655 = arith.subf %parallel_loop3A_654, %parallel_loop3A_652 : vector<16xf32>
          %parallel_loop3A_656 = arith.mulf %parallel_loop3A_647, %parallel_loop3A_655 : vector<16xf32>
          %parallel_loop3A_657 = arith.constant 5.000000e-01 : f32
          %parallel_loop3A_658 = vector.broadcast %parallel_loop3A_657 : f32 to vector<16xf32>
          %parallel_loop3A_659 = arith.mulf %parallel_loop3A_658, %parallel_loop3A_639 : vector<16xf32>
          %parallel_loop3A_660 = arith.mulf %parallel_loop3A_659, %parallel_loop3A_656 : vector<16xf32>
          %parallel_loop3A_661 = arith.mulf %parallel_loop3A_660, %parallel_loop3A_656 : vector<16xf32>
          %parallel_loop3A_662 = arith.constant 1.500000e+00 : f32
          %parallel_loop3A_663 = vector.broadcast %parallel_loop3A_662 : f32 to vector<16xf32>
          %parallel_loop3A_664 = arith.subf %parallel_loop3A_663, %parallel_loop3A_661 : vector<16xf32>
          %parallel_loop3A_665 = arith.mulf %parallel_loop3A_656, %parallel_loop3A_664 : vector<16xf32>
          %parallel_loop3A_666 = arith.subf %parallel_loop3A_458, %parallel_loop3A_631 : vector<16xf32>
          %parallel_loop3A_667 = arith.mulf %parallel_loop3A_666, %parallel_loop3A_665 : vector<16xf32>
          %parallel_loop3A_668 = arith.mulf %get3A_10, %parallel_loop3A_667 : vector<16xf32>
          %parallel_loop3A_669 = arith.addf %parallel_loop3A_668, %get3A_50 : vector<16xf32>
          %parallel_loop3A_670 = arith.index_cast %rem3A_303 : i32 to index
          %parallel_loop3A_671 = arith.index_cast %parallel_loop3A_438 : i32 to index
          %parallel_loop3A_672 = arith.constant 0 : index
          %parallel_loop3A_673 = tpu.vector_load %arg10[%parallel_loop3A_670, %parallel_loop3A_671, %parallel_loop3A_672] {strides = array<i32>} : memref<3x256x128xf32, #tpu.memory_space<vmem>>, vector<1x1x16xf32>,
          %parallel_loop3A_674 = vector.shape_cast %parallel_loop3A_673 : vector<1x1x16xf32> to vector<16xf32>
          %parallel_loop3A_675 = vector.shape_cast %parallel_loop3A_669 : vector<16xf32> to vector<1x1x16xf32>
          tpu.vector_store %arg10[%parallel_loop3A_670, %parallel_loop3A_671, %parallel_loop3A_672], %parallel_loop3A_675 {strides = array<i32>} : memref<3x256x128xf32, #tpu.memory_space<vmem>>, vector<1x1x16xf32>,
          %parallel_loop3A_676 = arith.subf %parallel_loop3A_470, %parallel_loop3A_631 : vector<16xf32>
          %parallel_loop3A_677 = arith.mulf %parallel_loop3A_676, %parallel_loop3A_665 : vector<16xf32>
          %parallel_loop3A_678 = arith.mulf %get3A_15, %parallel_loop3A_677 : vector<16xf32>
          %parallel_loop3A_679 = arith.addf %parallel_loop3A_678, %get3A_55 : vector<16xf32>
          %parallel_loop3A_680 = arith.index_cast %rem3A_303 : i32 to index
          %parallel_loop3A_681 = arith.index_cast %parallel_loop3A_438 : i32 to index
          %parallel_loop3A_682 = arith.constant 16 : index
          %parallel_loop3A_683 = tpu.vector_load %arg10[%parallel_loop3A_680, %parallel_loop3A_681, %parallel_loop3A_682] {strides = array<i32>} : memref<3x256x128xf32, #tpu.memory_space<vmem>>, vector<1x1x16xf32>,
          %parallel_loop3A_684 = vector.shape_cast %parallel_loop3A_683 : vector<1x1x16xf32> to vector<16xf32>
          %parallel_loop3A_685 = vector.shape_cast %parallel_loop3A_679 : vector<16xf32> to vector<1x1x16xf32>
          tpu.vector_store %arg10[%parallel_loop3A_680, %parallel_loop3A_681, %parallel_loop3A_682], %parallel_loop3A_685 {strides = array<i32>} : memref<3x256x128xf32, #tpu.memory_space<vmem>>, vector<1x1x16xf32>,
          %parallel_loop3A_686 = arith.subf %parallel_loop3A_482, %parallel_loop3A_631 : vector<16xf32>
          %parallel_loop3A_687 = arith.mulf %parallel_loop3A_686, %parallel_loop3A_665 : vector<16xf32>
          %parallel_loop3A_688 = arith.mulf %get3A_20, %parallel_loop3A_687 : vector<16xf32>
          %parallel_loop3A_689 = arith.addf %parallel_loop3A_688, %get3A_60 : vector<16xf32>
          %parallel_loop3A_690 = arith.index_cast %rem3A_303 : i32 to index
          %parallel_loop3A_691 = arith.index_cast %parallel_loop3A_438 : i32 to index
          %parallel_loop3A_692 = arith.constant 32 : index
          %parallel_loop3A_693 = tpu.vector_load %arg10[%parallel_loop3A_690, %parallel_loop3A_691, %parallel_loop3A_692] {strides = array<i32>} : memref<3x256x128xf32, #tpu.memory_space<vmem>>, vector<1x1x16xf32>,
          %parallel_loop3A_694 = vector.shape_cast %parallel_loop3A_693 : vector<1x1x16xf32> to vector<16xf32>
          %parallel_loop3A_695 = vector.shape_cast %parallel_loop3A_689 : vector<16xf32> to vector<1x1x16xf32>
          tpu.vector_store %arg10[%parallel_loop3A_690, %parallel_loop3A_691, %parallel_loop3A_692], %parallel_loop3A_695 {strides = array<i32>} : memref<3x256x128xf32, #tpu.memory_space<vmem>>, vector<1x1x16xf32>,
          %parallel_loop3A_696 = arith.subf %parallel_loop3A_494, %parallel_loop3A_631 : vector<16xf32>
          %parallel_loop3A_697 = arith.mulf %parallel_loop3A_696, %parallel_loop3A_665 : vector<16xf32>
          %parallel_loop3A_698 = arith.mulf %get3A_25, %parallel_loop3A_697 : vector<16xf32>
          %parallel_loop3A_699 = arith.addf %parallel_loop3A_698, %get3A_65 : vector<16xf32>
          %parallel_loop3A_700 = arith.index_cast %rem3A_303 : i32 to index
          %parallel_loop3A_701 = arith.index_cast %parallel_loop3A_438 : i32 to index
          %parallel_loop3A_702 = arith.constant 48 : index
          %parallel_loop3A_703 = tpu.vector_load %arg10[%parallel_loop3A_700, %parallel_loop3A_701, %parallel_loop3A_702] {strides = array<i32>} : memref<3x256x128xf32, #tpu.memory_space<vmem>>, vector<1x1x16xf32>,
          %parallel_loop3A_704 = vector.shape_cast %parallel_loop3A_703 : vector<1x1x16xf32> to vector<16xf32>
          %parallel_loop3A_705 = vector.shape_cast %parallel_loop3A_699 : vector<16xf32> to vector<1x1x16xf32>
          tpu.vector_store %arg10[%parallel_loop3A_700, %parallel_loop3A_701, %parallel_loop3A_702], %parallel_loop3A_705 {strides = array<i32>} : memref<3x256x128xf32, #tpu.memory_space<vmem>>, vector<1x1x16xf32>,
          %parallel_loop3A_706 = arith.subf %parallel_loop3A_506, %parallel_loop3A_631 : vector<16xf32>
          %parallel_loop3A_707 = arith.mulf %parallel_loop3A_706, %parallel_loop3A_665 : vector<16xf32>
          %parallel_loop3A_708 = arith.mulf %get3A_30, %parallel_loop3A_707 : vector<16xf32>
          %parallel_loop3A_709 = arith.addf %parallel_loop3A_708, %get3A_70 : vector<16xf32>
          %parallel_loop3A_710 = arith.index_cast %rem3A_303 : i32 to index
          %parallel_loop3A_711 = arith.index_cast %parallel_loop3A_438 : i32 to index
          %parallel_loop3A_712 = arith.constant 64 : index
          %parallel_loop3A_713 = tpu.vector_load %arg10[%parallel_loop3A_710, %parallel_loop3A_711, %parallel_loop3A_712] {strides = array<i32>} : memref<3x256x128xf32, #tpu.memory_space<vmem>>, vector<1x1x16xf32>,
          %parallel_loop3A_714 = vector.shape_cast %parallel_loop3A_713 : vector<1x1x16xf32> to vector<16xf32>
          %parallel_loop3A_715 = vector.shape_cast %parallel_loop3A_709 : vector<16xf32> to vector<1x1x16xf32>
          tpu.vector_store %arg10[%parallel_loop3A_710, %parallel_loop3A_711, %parallel_loop3A_712], %parallel_loop3A_715 {strides = array<i32>} : memref<3x256x128xf32, #tpu.memory_space<vmem>>, vector<1x1x16xf32>,
          %parallel_loop3A_716 = arith.subf %parallel_loop3A_518, %parallel_loop3A_631 : vector<16xf32>
          %parallel_loop3A_717 = arith.mulf %parallel_loop3A_716, %parallel_loop3A_665 : vector<16xf32>
          %parallel_loop3A_718 = arith.mulf %get3A_35, %parallel_loop3A_717 : vector<16xf32>
          %parallel_loop3A_719 = arith.addf %parallel_loop3A_718, %get3A_75 : vector<16xf32>
          %parallel_loop3A_720 = arith.index_cast %rem3A_303 : i32 to index
          %parallel_loop3A_721 = arith.index_cast %parallel_loop3A_438 : i32 to index
          %parallel_loop3A_722 = arith.constant 80 : index
          %parallel_loop3A_723 = tpu.vector_load %arg10[%parallel_loop3A_720, %parallel_loop3A_721, %parallel_loop3A_722] {strides = array<i32>} : memref<3x256x128xf32, #tpu.memory_space<vmem>>, vector<1x1x16xf32>,
          %parallel_loop3A_724 = vector.shape_cast %parallel_loop3A_723 : vector<1x1x16xf32> to vector<16xf32>
          %parallel_loop3A_725 = vector.shape_cast %parallel_loop3A_719 : vector<16xf32> to vector<1x1x16xf32>
          tpu.vector_store %arg10[%parallel_loop3A_720, %parallel_loop3A_721, %parallel_loop3A_722], %parallel_loop3A_725 {strides = array<i32>} : memref<3x256x128xf32, #tpu.memory_space<vmem>>, vector<1x1x16xf32>,
          %parallel_loop3A_726 = arith.subf %parallel_loop3A_530, %parallel_loop3A_631 : vector<16xf32>
          %parallel_loop3A_727 = arith.mulf %parallel_loop3A_726, %parallel_loop3A_665 : vector<16xf32>
          %parallel_loop3A_728 = arith.mulf %get3A_40, %parallel_loop3A_727 : vector<16xf32>
          %parallel_loop3A_729 = arith.addf %parallel_loop3A_728, %get3A_80 : vector<16xf32>
          %parallel_loop3A_730 = arith.index_cast %rem3A_303 : i32 to index
          %parallel_loop3A_731 = arith.index_cast %parallel_loop3A_438 : i32 to index
          %parallel_loop3A_732 = arith.constant 96 : index
          %parallel_loop3A_733 = tpu.vector_load %arg10[%parallel_loop3A_730, %parallel_loop3A_731, %parallel_loop3A_732] {strides = array<i32>} : memref<3x256x128xf32, #tpu.memory_space<vmem>>, vector<1x1x16xf32>,
          %parallel_loop3A_734 = vector.shape_cast %parallel_loop3A_733 : vector<1x1x16xf32> to vector<16xf32>
          %parallel_loop3A_735 = vector.shape_cast %parallel_loop3A_729 : vector<16xf32> to vector<1x1x16xf32>
          tpu.vector_store %arg10[%parallel_loop3A_730, %parallel_loop3A_731, %parallel_loop3A_732], %parallel_loop3A_735 {strides = array<i32>} : memref<3x256x128xf32, #tpu.memory_space<vmem>>, vector<1x1x16xf32>,
          %parallel_loop3A_736 = arith.subf %parallel_loop3A_542, %parallel_loop3A_631 : vector<16xf32>
          %parallel_loop3A_737 = arith.mulf %parallel_loop3A_736, %parallel_loop3A_665 : vector<16xf32>
          %parallel_loop3A_738 = arith.mulf %get3A_45, %parallel_loop3A_737 : vector<16xf32>
          %parallel_loop3A_739 = arith.addf %parallel_loop3A_738, %get3A_85 : vector<16xf32>
          %parallel_loop3A_740 = arith.index_cast %rem3A_303 : i32 to index
          %parallel_loop3A_741 = arith.index_cast %parallel_loop3A_438 : i32 to index
          %parallel_loop3A_742 = arith.constant 112 : index
          %parallel_loop3A_743 = tpu.vector_load %arg10[%parallel_loop3A_740, %parallel_loop3A_741, %parallel_loop3A_742] {strides = array<i32>} : memref<3x256x128xf32, #tpu.memory_space<vmem>>, vector<1x1x16xf32>,
          %parallel_loop3A_744 = vector.shape_cast %parallel_loop3A_743 : vector<1x1x16xf32> to vector<16xf32>
          %parallel_loop3A_745 = vector.shape_cast %parallel_loop3A_739 : vector<16xf32> to vector<1x1x16xf32>
          tpu.vector_store %arg10[%parallel_loop3A_740, %parallel_loop3A_741, %parallel_loop3A_742], %parallel_loop3A_745 {strides = array<i32>} : memref<3x256x128xf32, #tpu.memory_space<vmem>>, vector<1x1x16xf32>,
        } {sc.loop_unroll_factor = 8 : i64, sc.parallel_access}
      }
      %scan3A_408 = arith.constant 16 : i32
      %dma_start3A_409 = arith.constant 0 : i32
      %dma_start3A_410 = arith.constant 0 : i32
      %dma_start3A_411 = tpu.memref_slice %arg10[%rem3A_303, %dma_start3A_409, %dma_start3A_410] : memref<3x256x128xf32, #tpu.memory_space<vmem>> -> memref<1x256x128xf32, #tpu.memory_space<vmem>>
      %dma_start3A_412 = tpu.memref_squeeze %dma_start3A_411 : memref<1x256x128xf32, #tpu.memory_space<vmem>> -> memref<256x128xf32, #tpu.memory_space<vmem>>
      %dma_start3A_413 = arith.constant 0 : i32
      %dma_start3A_414 = tpu.memref_slice %arg8[%add3A_310, %dma_start3A_413] : memref<819200x128xf32, #tpu.memory_space<hbm>> -> memref<256x128xf32, #tpu.memory_space<hbm>>
      %dma_start3A_415 = arith.constant 0 : i32
      %dma_start3A_416 = tpu.memref_slice %arg8[%add3A_310, %dma_start3A_415] : memref<819200x128xf32, #tpu.memory_space<hbm>> -> memref<256x128xf32, #tpu.memory_space<hbm>>
      %dma_start3A_417 = arith.constant 0 : i32
      %dma_start3A_418 = arith.constant 0 : i32
      %dma_start3A_419 = tpu.memref_slice %arg10[%rem3A_303, %dma_start3A_417, %dma_start3A_418] : memref<3x256x128xf32, #tpu.memory_space<vmem>> -> memref<1x256x128xf32, #tpu.memory_space<vmem>>
      %dma_start3A_420 = tpu.memref_squeeze %dma_start3A_419 : memref<1x256x128xf32, #tpu.memory_space<vmem>> -> memref<256x128xf32, #tpu.memory_space<vmem>>
      tpu.enqueue_dma source(%dma_start3A_420 : memref<256x128xf32, #tpu.memory_space<vmem>>) target(%dma_start3A_416 : memref<256x128xf32, #tpu.memory_space<hbm>>) target_semaphore(%arg15 : memref<!tpu.dma_semaphore, #tpu.memory_space<semaphore_mem>>)
    }
    %scan3A_216 = arith.constant 100 : i32
    %rem3A = arith.constant 101 : i32
    %rem3A_217 = arith.constant 3 : i32
    %rem3A_218 = arith.remsi %rem3A, %rem3A_217 : i32
    %min3A_219 = arith.constant 101 : i32
    %min3A_220 = arith.constant 99 : i32
    %min3A_221 = arith.minsi %min3A_219, %min3A_220 : i32
    %add3A_222 = arith.addi %mul3A_4, %min3A_221 : i32
    %dma_wait3A_223 = arith.constant 0 : i32
    %dma_wait3A_224 = arith.constant 0 : i32
    %dma_wait3A_225 = tpu.memref_slice %arg9[%rem3A_218, %dma_wait3A_223, %dma_wait3A_224] : memref<3x2x256xi32, #tpu.memory_space<vmem>> -> memref<1x2x256xi32, #tpu.memory_space<vmem>>
    %dma_wait3A_226 = tpu.memref_squeeze %dma_wait3A_225 : memref<1x2x256xi32, #tpu.memory_space<vmem>> -> memref<2x256xi32, #tpu.memory_space<vmem>>
    %dma_wait3A_227 = arith.constant 0 : i32
    %dma_wait3A_228 = arith.constant 0 : i32
    %dma_wait3A_229 = tpu.memref_slice %arg2[%add3A_222, %dma_wait3A_227, %dma_wait3A_228] : memref<3200x2x256xi32, #tpu.memory_space<hbm>> -> memref<1x2x256xi32, #tpu.memory_space<hbm>>
    %dma_wait3A_230 = tpu.memref_squeeze %dma_wait3A_229 : memref<1x2x256xi32, #tpu.memory_space<hbm>> -> memref<2x256xi32, #tpu.memory_space<hbm>>
    %dma_wait3A_231 = arith.constant 0 : i32
    %dma_wait3A_232 = arith.constant 0 : i32
    %dma_wait3A_233 = tpu.memref_slice %arg9[%rem3A_218, %dma_wait3A_231, %dma_wait3A_232] : memref<3x2x256xi32, #tpu.memory_space<vmem>> -> memref<1x2x256xi32, #tpu.memory_space<vmem>>
    %dma_wait3A_234 = tpu.memref_squeeze %dma_wait3A_233 : memref<1x2x256xi32, #tpu.memory_space<vmem>> -> memref<2x256xi32, #tpu.memory_space<vmem>>
    %dma_wait3A_235 = arith.constant 0 : i32
    %dma_wait3A_236 = arith.constant 0 : i32
    %dma_wait3A_237 = tpu.memref_slice %arg2[%add3A_222, %dma_wait3A_235, %dma_wait3A_236] : memref<3200x2x256xi32, #tpu.memory_space<hbm>> -> memref<1x2x256xi32, #tpu.memory_space<hbm>>
    %dma_wait3A_238 = tpu.memref_squeeze %dma_wait3A_237 : memref<1x2x256xi32, #tpu.memory_space<hbm>> -> memref<2x256xi32, #tpu.memory_space<hbm>>
    tpu.wait_dma2 semaphore(%arg13 : memref<!tpu.dma_semaphore, #tpu.memory_space<semaphore_mem>>) src(%dma_wait3A_238 : memref<2x256xi32, #tpu.memory_space<hbm>>) dst(%dma_wait3A_234 : memref<2x256xi32, #tpu.memory_space<vmem>>)
    %rem3A_239 = arith.constant 100 : i32
    %rem3A_240 = arith.constant 3 : i32
    %rem3A_241 = arith.remsi %rem3A_239, %rem3A_240 : i32
    %rem3A_242 = arith.constant 100 : i32
    %rem3A_243 = arith.constant 3 : i32
    %rem3A_244 = arith.remsi %rem3A_242, %rem3A_243 : i32
    %dma_wait3A_245 = arith.constant 0 : i32
    %dma_wait3A_246 = arith.constant 0 : i32
    %dma_wait3A_247 = arith.constant 0 : i32
    %dma_wait3A_248 = tpu.memref_slice %arg10[%rem3A_244, %dma_wait3A_246, %dma_wait3A_247] : memref<3x256x128xf32, #tpu.memory_space<vmem>> -> memref<1x128x128xf32, #tpu.memory_space<vmem>>
    %dma_wait3A_249 = tpu.memref_squeeze %dma_wait3A_248 : memref<1x128x128xf32, #tpu.memory_space<vmem>> -> memref<128x128xf32, #tpu.memory_space<vmem>>
    %dma_wait3A_250 = arith.constant 0 : i32
    %dma_wait3A_251 = tpu.memref_slice %arg9[%rem3A_241, %dma_wait3A_245, %dma_wait3A_250] : memref<3x2x256xi32, #tpu.memory_space<vmem>> -> memref<1x1x128xi32, #tpu.memory_space<vmem>>
    %dma_wait3A_252 = tpu.memref_squeeze %dma_wait3A_251 : memref<1x1x128xi32, #tpu.memory_space<vmem>> -> memref<128xi32, #tpu.memory_space<vmem>>
    %dma_wait3A_253 = arith.constant 0 : i32
    %dma_wait3A_254 = arith.constant 0 : i32
    %dma_wait3A_255 = tpu.memref_slice %arg3[%dma_wait3A_253, %dma_wait3A_254] : memref<100000x128xf32, #tpu.memory_space<hbm>> -> memref<100000x128xf32, #tpu.memory_space<hbm>>
    tpu.wait_indirect_dma semaphore(%arg14 : memref<!tpu.dma_semaphore, #tpu.memory_space<semaphore_mem>>) src(%dma_wait3A_255 : memref<100000x128xf32, #tpu.memory_space<hbm>>) dst(%dma_wait3A_249 : memref<128x128xf32, #tpu.memory_space<vmem>>)
    %dma_wait3A_256 = arith.constant 0 : i32
    %dma_wait3A_257 = arith.constant 128 : i32
    %dma_wait3A_258 = arith.constant 0 : i32
    %dma_wait3A_259 = tpu.memref_slice %arg10[%rem3A_244, %dma_wait3A_257, %dma_wait3A_258] : memref<3x256x128xf32, #tpu.memory_space<vmem>> -> memref<1x128x128xf32, #tpu.memory_space<vmem>>
    %dma_wait3A_260 = tpu.memref_squeeze %dma_wait3A_259 : memref<1x128x128xf32, #tpu.memory_space<vmem>> -> memref<128x128xf32, #tpu.memory_space<vmem>>
    %dma_wait3A_261 = arith.constant 128 : i32
    %dma_wait3A_262 = tpu.memref_slice %arg9[%rem3A_241, %dma_wait3A_256, %dma_wait3A_261] : memref<3x2x256xi32, #tpu.memory_space<vmem>> -> memref<1x1x128xi32, #tpu.memory_space<vmem>>
    %dma_wait3A_263 = tpu.memref_squeeze %dma_wait3A_262 : memref<1x1x128xi32, #tpu.memory_space<vmem>> -> memref<128xi32, #tpu.memory_space<vmem>>
    %dma_wait3A_264 = arith.constant 0 : i32
    %dma_wait3A_265 = arith.constant 0 : i32
    %dma_wait3A_266 = tpu.memref_slice %arg3[%dma_wait3A_264, %dma_wait3A_265] : memref<100000x128xf32, #tpu.memory_space<hbm>> -> memref<100000x128xf32, #tpu.memory_space<hbm>>
    tpu.wait_indirect_dma semaphore(%arg14 : memref<!tpu.dma_semaphore, #tpu.memory_space<semaphore_mem>>) src(%dma_wait3A_266 : memref<100000x128xf32, #tpu.memory_space<hbm>>) dst(%dma_wait3A_260 : memref<128x128xf32, #tpu.memory_space<vmem>>)
    %rem3A_267 = arith.constant 98 : i32
    %rem3A_268 = arith.constant 3 : i32
    %rem3A_269 = arith.remsi %rem3A_267, %rem3A_268 : i32
    %add3A_270 = arith.constant 25088 : i32
    %add3A_271 = arith.addi %mul3A_2, %add3A_270 : i32
    %dma_wait3A_272 = arith.constant 0 : i32
    %dma_wait3A_273 = arith.constant 0 : i32
    %dma_wait3A_274 = tpu.memref_slice %arg10[%rem3A_269, %dma_wait3A_272, %dma_wait3A_273] : memref<3x256x128xf32, #tpu.memory_space<vmem>> -> memref<1x256x128xf32, #tpu.memory_space<vmem>>
    %dma_wait3A_275 = tpu.memref_squeeze %dma_wait3A_274 : memref<1x256x128xf32, #tpu.memory_space<vmem>> -> memref<256x128xf32, #tpu.memory_space<vmem>>
    %dma_wait3A_276 = arith.constant 0 : i32
    %dma_wait3A_277 = tpu.memref_slice %arg8[%add3A_271, %dma_wait3A_276] : memref<819200x128xf32, #tpu.memory_space<hbm>> -> memref<256x128xf32, #tpu.memory_space<hbm>>
    %dma_wait3A_278 = arith.constant 0 : i32
    %dma_wait3A_279 = tpu.memref_slice %arg8[%add3A_271, %dma_wait3A_278] : memref<819200x128xf32, #tpu.memory_space<hbm>> -> memref<256x128xf32, #tpu.memory_space<hbm>>
    %dma_wait3A_280 = arith.constant 0 : i32
    %dma_wait3A_281 = arith.constant 0 : i32
    %dma_wait3A_282 = tpu.memref_slice %arg10[%rem3A_269, %dma_wait3A_280, %dma_wait3A_281] : memref<3x256x128xf32, #tpu.memory_space<vmem>> -> memref<1x256x128xf32, #tpu.memory_space<vmem>>
    %dma_wait3A_283 = tpu.memref_squeeze %dma_wait3A_282 : memref<1x256x128xf32, #tpu.memory_space<vmem>> -> memref<256x128xf32, #tpu.memory_space<vmem>>
    tpu.wait_dma2 semaphore(%arg15 : memref<!tpu.dma_semaphore, #tpu.memory_space<semaphore_mem>>) src(%dma_wait3A_283 : memref<256x128xf32, #tpu.memory_space<vmem>>) dst(%dma_wait3A_279 : memref<256x128xf32, #tpu.memory_space<hbm>>)
    %rem3A_284 = arith.constant 99 : i32
    %rem3A_285 = arith.constant 3 : i32
    %rem3A_286 = arith.remsi %rem3A_284, %rem3A_285 : i32
    %add3A_287 = arith.constant 25344 : i32
    %add3A_288 = arith.addi %mul3A_2, %add3A_287 : i32
    %dma_wait3A_289 = arith.constant 0 : i32
    %dma_wait3A_290 = arith.constant 0 : i32
    %dma_wait3A_291 = tpu.memref_slice %arg10[%rem3A_286, %dma_wait3A_289, %dma_wait3A_290] : memref<3x256x128xf32, #tpu.memory_space<vmem>> -> memref<1x256x128xf32, #tpu.memory_space<vmem>>
    %dma_wait3A_292 = tpu.memref_squeeze %dma_wait3A_291 : memref<1x256x128xf32, #tpu.memory_space<vmem>> -> memref<256x128xf32, #tpu.memory_space<vmem>>
    %dma_wait3A_293 = arith.constant 0 : i32
    %dma_wait3A_294 = tpu.memref_slice %arg8[%add3A_288, %dma_wait3A_293] : memref<819200x128xf32, #tpu.memory_space<hbm>> -> memref<256x128xf32, #tpu.memory_space<hbm>>
    %dma_wait3A_295 = arith.constant 0 : i32
    %dma_wait3A_296 = tpu.memref_slice %arg8[%add3A_288, %dma_wait3A_295] : memref<819200x128xf32, #tpu.memory_space<hbm>> -> memref<256x128xf32, #tpu.memory_space<hbm>>
    %dma_wait3A_297 = arith.constant 0 : i32
    %dma_wait3A_298 = arith.constant 0 : i32
    %dma_wait3A_299 = tpu.memref_slice %arg10[%rem3A_286, %dma_wait3A_297, %dma_wait3A_298] : memref<3x256x128xf32, #tpu.memory_space<vmem>> -> memref<1x256x128xf32, #tpu.memory_space<vmem>>
    %dma_wait3A_300 = tpu.memref_squeeze %dma_wait3A_299 : memref<1x256x128xf32, #tpu.memory_space<vmem>> -> memref<256x128xf32, #tpu.memory_space<vmem>>
    tpu.wait_dma2 semaphore(%arg15 : memref<!tpu.dma_semaphore, #tpu.memory_space<semaphore_mem>>) src(%dma_wait3A_300 : memref<256x128xf32, #tpu.memory_space<vmem>>) dst(%dma_wait3A_296 : memref<256x128xf32, #tpu.memory_space<hbm>>)
    return
  }
}

</mosaic_0001>

<sc_bundles>
// kernel: kernel.3.cloned.1.call-start
scs
__scs_entry_jumppad:
0x0: {  	(pc) =	sbr.rel $0x88, $3  }
0x1: {  	(tag) =	ssettag $0x0;
	lr =	simm.s32 $0x1  }
0x2: {  	[smem:$0x3F9A] =	sst lr;
	_ =	strace $0xD0000000  }
0x3: {  	_ = 	snop  }
0x4: {  	_ = 	snop  }
0x5: {  	_ = 	snop  }
0x6: {  	_ = 	snop  }
0x7: {  	_ = 	snop  }
__scs_overlays_trampoline_lowered:
0x8: {  	[smem:$0x3FA9] =	sst s0  }
0x9: {  	[smem:$0x3FAA] =	sst s1  }
0xa: {  	[smem:$0x3FAB] =	sst s2  }
0xb: {  	[smem:$0x3FAC] =	sst s3  }
0xc: {  	[smem:$0x3FAD] =	sst s4  }
0xd: {  	[smem:$0x3FAE] =	sst s5  }
0xe: {  	[smem:$0x3FAF] =	sst s6  }
0xf: {  	[smem:$0x3FB0] =	sst s7  }
0x10: {  	[smem:$0x3FB1] =	sst s8  }
0x11: {  	[smem:$0x3FB2] =	sst s9;
	s0 =	simm.s32 @!p0 $0x0  }
0x12: {  	s1 =	sld [smem:$0x3F98];
	s0 =	simm.s32 @p0 $0x1  }
0x13: {  	[smem:$0x3FB3] =	sst s0;
	s0 =	simm.s32 @!p1 $0x0  }
0x14: {  	s2 =	sld [smem:$0x3F97];
	s0 =	simm.s32 @p1 $0x1  }
0x15: {  	[smem:$0x3FB4] =	sst s0;
	s0 =	simm.s32 @!p2 $0x0  }
0x16: {  	s3 =	sld [smem:$0x3FDB];
	s0 =	simm.s32 @p2 $0x1  }
0x17: {  	s4 =	simm.s32 $0x1BF5;
	[smem:$0x3FB6] =	sst s0  }
0x18: {  	s0 =	sld [smem:$0x3F99];
	_ =	swait.ge [sflag:s4], $0x0  }
0x19: {  	s7 =	sld [smem:$0x3F9A]  }
0x1a: {  	s8 =	sadd.s32 $0xFFFFE003, lr  }
0x1b: {  	s9 =	sadd.s32 $0xFFFFFEF7, lr;
	s5 =	simm.s32 $0xFFFFFFFF;
	p2 =	slt.u32 s8, $0xFFFFF086  }
0x1c: {  	p1 =	slt.u32 s9, $0xF7A;
	s5 =	simm.s32 @!p2 $0x0  }
0x1d: {  	s5 =	simm.s32 @p1 $0x1;
	p0 =	seq.s32 s7, s2  }
0x1e: {  	s7 =	smul.u32 @!p0 $0xF7A, s2;
	p2 =	seq.s32 @!p0 s5, $0x0  }
0x1f: {  	s9 =	smul.u32 $0xF7A, s1;
	s8 =	simm.s32 @!p0 $0x1BF5;
	p2 =	por !p2, p0  }
0x20: {  	[sflag:s8] =	ssyncset.s32 @!p0 $0xFFFFF086;
	s6 =	sadd.s32 @!p0 s3, s7;
	s7 =	simm.s32 @!p0 $0x108  }
0x21: {  	s3 =	sadd.s32 s3, s9;
	s6 =	sadd.s32 @!p0 $0x88, s6;
	s7 =	simm.s32 @p2 $0x1082  }
0x22: {  	[simem:s7], [sflag:s8] =	dma.local @!p0 [hbm:s6], $0xF7A  }
0x23: {  	s9 =	sor.u32 $0xD0000000, s2;
	s6 =	simm.s32 $0x108;
	_ =	swait.ge @!p0 [sflag:s8], $0x0  }
0x24: {  	s3 =	sadd.s32 $0x88, s3;
	s6 =	simm.s32 @!p1 $0x1082;
	[sflag:s4] =	ssyncset.s32 $0xFFFFF086  }
0x25: {  	[simem:s6], [sflag:s4] =	dma.local [hbm:s3], $0xF7A  }
0x26: {  	[smem:$0x3F9A] =	sst s1;
	(tag) =	ssettag s2;
	_ =	strace s9  }
0x27: {  	s1 =	sld [smem:$0x3FAA]  }
0x28: {  	s2 =	sld [smem:$0x3FAB]  }
0x29: {  	s4 =	sld [smem:$0x3FAD]  }
0x2a: {  	p0 =	seq.s32 s5, $0x0;
	s5 =	sld [smem:$0x3FAE]  }
0x2b: {  	s6 =	sld [smem:$0x3FAF]  }
0x2c: {  	s7 =	sld [smem:$0x3FB0]  }
0x2d: {  	s3 =	simm.s32 $0x108;
	s8 =	sld [smem:$0x3FB1]  }
0x2e: {  	s3 =	simm.s32 @!p0 $0x1082;
	s9 =	sld [smem:$0x3FB2]  }
0x2f: {  	lr =	sadd.s32 s0, s3;
	s0 =	sld [smem:$0x3FA9]  }
0x30: {  	s3 =	sld [smem:$0x3FAC]  }
0x31: {  	[smem:$0x3FB5] =	sst s10  }
0x32: {  	s10 =	sld [smem:$0x3FB3];
	_ =	sdelay $0x3  }
0x33: {  	p0 =	seq.s32 s10, $0x1;
	s10 =	sld [smem:$0x3FB5];
	_ =	sdelay $0x3  }
0x34: {  	[smem:$0x3FB5] =	sst s10  }
0x35: {  	s10 =	sld [smem:$0x3FB4];
	_ =	sdelay $0x3  }
0x36: {  	p1 =	seq.s32 s10, $0x1;
	s10 =	sld [smem:$0x3FB5];
	_ =	sdelay $0x3  }
0x37: {  	[smem:$0x3FB5] =	sst s10  }
0x38: {  	s10 =	sld [smem:$0x3FB6]  }
0x39: {  	_ = 	snop;
	(pc) =	sbr.ind lr, $3  }
0x3a: {  	_ = 	snop  }
0x3b: {  	_ = 	snop  }
0x3c: {  	p2 =	seq.s32 s10, $0x1;
	s10 =	sld [smem:$0x3FB5]  }
0x3d: {  	_ =	shalt  }
0x3e: {  	_ =	shalt  }
0x3f: {  	_ =	shalt  }
0x40: {  	_ =	shalt  }
0x41: {  	_ =	shalt  }
0x42: {  	_ =	shalt  }
0x43: {  	_ =	shalt  }
0x44: {  	_ =	shalt  }
0x45: {  	_ =	shalt  }
0x46: {  	_ =	shalt  }
0x47: {  	_ =	shalt  }
0x48: {  	_ =	shalt  }
0x49: {  	_ =	shalt  }
0x4a: {  	_ =	shalt  }
0x4b: {  	_ =	shalt  }
0x4c: {  	_ =	shalt  }
0x4d: {  	_ =	shalt  }
0x4e: {  	_ =	shalt  }
0x4f: {  	_ =	shalt  }
0x50: {  	_ =	shalt  }
0x51: {  	_ =	shalt  }
0x52: {  	_ =	shalt  }
0x53: {  	_ =	shalt  }
0x54: {  	_ =	shalt  }
0x55: {  	_ =	shalt  }
0x56: {  	_ =	shalt  }
0x57: {  	_ =	shalt  }
0x58: {  	_ =	shalt  }
0x59: {  	_ =	shalt  }
0x5a: {  	_ =	shalt  }
0x5b: {  	_ =	shalt  }
0x5c: {  	_ =	shalt  }
0x5d: {  	_ =	shalt  }
0x5e: {  	_ =	shalt  }
0x5f: {  	_ =	shalt  }
0x60: {  	_ =	shalt  }
0x61: {  	_ =	shalt  }
0x62: {  	_ =	shalt  }
0x63: {  	_ =	shalt  }
0x64: {  	_ =	shalt  }
0x65: {  	_ =	shalt  }
0x66: {  	_ =	shalt  }
0x67: {  	_ =	shalt  }
0x68: {  	_ =	shalt  }
0x69: {  	_ =	shalt  }
0x6a: {  	_ =	shalt  }
0x6b: {  	_ =	shalt  }
0x6c: {  	_ =	shalt  }
0x6d: {  	_ =	shalt  }
0x6e: {  	_ =	shalt  }
0x6f: {  	_ =	shalt  }
0x70: {  	_ =	shalt  }
0x71: {  	_ =	shalt  }
0x72: {  	_ =	shalt  }
0x73: {  	_ =	shalt  }
0x74: {  	_ =	shalt  }
0x75: {  	_ =	shalt  }
0x76: {  	_ =	shalt  }
0x77: {  	_ =	shalt  }
0x78: {  	_ =	shalt  }
0x79: {  	_ =	shalt  }
0x7a: {  	_ =	shalt  }
0x7b: {  	_ =	shalt  }
0x7c: {  	_ =	shalt  }
0x7d: {  	_ =	shalt  }
0x7e: {  	_ =	shalt  }
0x7f: {  	_ =	shalt  }
0x80: {  	_ =	shalt  }
0x81: {  	_ =	shalt  }
0x82: {  	_ =	shalt  }
0x83: {  	_ =	shalt  }
0x84: {  	_ =	shalt  }
0x85: {  	_ =	shalt  }
0x86: {  	_ =	shalt  }
0x87: {  	_ =	shalt  }
.Lfunc_end0:
.L_simem_size_0:
called_computation_lowered:
.L_overlay_start_0:
0x88: {  	s2 =	sld [smem:$0x3FD9]  }
0x89: {  	s3 =	sld [smem:$0x3FFE];
	_ =	sdelay $0x1  }
0x8a: {  	s1 =	srdreg.scid  }
0x8b: {  	s0 =	sand.u32 $0x1, s1  }
0x8c: {  	s17 =	sshll.u32 s0, $0xA;
	s2 =	sadd.s32 s3, s2  }
0x8d: {  	s2 =	sadd.s32 s2, s17  }
0x8e: {  	[smem:$0x3FC1] =	sst s2  }
0x8f: {  	_ = 	snop  }
0x90: {  	s2 =	sld [smem:$0x3FC7]  }
0x91: {  	s18 =	sld [smem:$0x3FC4]  }
0x92: {  	s4 =	sld [smem:$0x3FC3]  }
0x93: {  	s5 =	sld [smem:$0x3FD0];
	(tm) =	ssettm $0x1  }
0x94: {  	s6 =	sld [smem:$0x3FFB];
	_ =	sdelay $0x3  }
0x95: {  	_ =	strace s6  }
0x96: {  	s6 =	sld [smem:$0x3FFC];
	_ =	sdelay $0x3  }
0x97: {  	_ =	strace s6  }
0x98: {  	s6 =	sld [smem:$0x3FFD];
	_ =	sdelay $0x3  }
0x99: {  	_ =	strace s6  }
0x9a: {  	_ =	strace $0x8FFFFFFF  }
0x9b: {  	s19 =	sld [smem:$0x3FDB];
	_ =	sdelay $0x1  }
0x9c: {  	s7 =	simm.s32 $_scs_section_size  }
0x9d: {  	s8 =	simm.s32 $_size__tile_overlayer_lowered;
	s9 =	simm.s32 $_tile_overlayer_lowered  }
0x9e: {  	s22 =	simm.s32 $0x1BFF;
	s21 =	sshll.u32 s9, $0x1;
	s6 =	sadd.s32 s7, s19  }
0x9f: {  	s10 =	simm.s32 $0x0;
	s20 =	sshll.u32 s8, $0x1;
	s8 =	sadd.s32 s21, s6  }
0xa0: {  	[timem:s10], [sflag:s22] =	dma.local [hbm:s8], s20  }
0xa1: {  	_ =	swait.ge [sflag:s22], s20  }
0xa2: {  	s7 =	ssub.s32 $0x0, s20;
	[sflag:s22] =	ssyncset.done $0x0  }
0xa3: {  	[sflag:s22] =	ssyncadd.s32 s7;
	_ =	sdelay $0x1  }
0xa4: {  	s23 =	simm.s32 $0x1B8B  }
0xa5: {  	_ =	swait.ge [sflag:s23], $0x1  }
0xa6: {  	[sflag:s23] =	ssyncset.done $0x0  }
0xa7: {  	s25 =	simm.s32 $0x1B8E;
	s24 =	sld [smem:$0x3FFE];
	[sflag:s23] =	ssyncadd.s32 $0xFFFFFFFF  }
0xa8: {  	s26 =	simm.s32 $execute0_lowered;
	[smem:$0x3FD2] =	sst s25  }
0xa9: {  	s8 =	sshll.u32 s26, $0x1;
	_ =	strace $0x80000046;
	[dreg:$0x1] =	wrdreg $0xFFFFFFFF  }
0xaa: {  	s28 =	simm.s32 $_size_execute0_lowered;
	s6 =	sadd.s32 s6, s8;
	[dreg:$0x0] =	wrdreg $0x0  }
0xab: {  	s8 =	sshll.u32 s28, $0x1;
	[dreg:$0x2] =	wrdreg s6  }
0xac: {  	[dreg:$0x3] =	wrdreg s8  }
0xad: {  	[dreg:$0x4] =	wrdreg $0xC0  }
0xae: {  	_ =	task [dreg:s10], $0x5FFFF  }
0xaf: {  	[dreg:$0x1] =	wrdreg $0xFFFFFFFF  }
0xb0: {  	[dreg:$0x0] =	wrdreg $0x60  }
0xb1: {  	[dreg:$0x2] =	wrdreg s24  }
0xb2: {  	[dreg:$0x3] =	wrdreg s2  }
0xb3: {  	[dreg:$0x4] =	wrdreg s18  }
0xb4: {  	[dreg:$0x5] =	wrdreg s4  }
0xb5: {  	[dreg:$0x6] =	wrdreg s5  }
0xb6: {  	[dreg:$0x7] =	wrdreg $0x9  }
0xb7: {  	_ =	task.clear_ibuf [dreg:s10], $0x8FFFF;
	_ =	strace $0x90000046  }
0xb8: {  	s29 =	simm.s32 $0x9;
	_ =	strace $0x80000048  }
0xb9: {  	_ =	swait.ge [sflag:s29], $0x1  }
0xba: {  	[sflag:s29] =	ssyncadd.s32 $0xFFFFFFFF  }
0xbb: {  	_ =	strace $0x90000048  }
0xbc: {  	_ =	sfence  }
0xbd: {  	s30 =	sld [smem:$0x0];
	_ =	sdelay $0x2  }
0xbe: {  	s31 =	sshll.u32 s1, $0xD;
	s1 =	sshrl.u32 s1, $0x2  }
0xbf: {  	s3 =	sand.u32 $0x4000, s31;
	s1 =	sadd.s32 s1, s30  }
0xc0: {  	s0 =	sor.u32 s3, s0;
	s1 =	sshll.u32 s1, $0x11  }
0xc1: {  	s0 =	sor.u32 s1, s0  }
0xc2: {  	s0 =	sadd.s32 $0x8F2B, s0  }
0xc3: {  	[sflag:s0] =	ssyncadd.remote.s32 $0x1  }
0xc4: {  	_ =	sfence.sel $0xFFFF  }
0xc5: {  	[dreg:$0x0] =	wrdreg $0xFFFFFFFF;
	(pc) =	sbr.abs _section_cstart, $3  }
0xc6: {  	[dreg:$0x1] =	wrdreg $0xFFFFFFFF  }
0xc7: {  	_ =	task.clear_ibuf [dreg:s10], $0x2FFFF;
	_ =	strace $0x9FFFFFFF  }
0xc8: {  	(tm) =	ssettm $0x7FFFFFFF  }
0xc9: {  	_ =	shalt  }
tec
execute0_lowered:
.L_overlay_start_1:
0x0: {  	(tag) =	ssettag $0x1  }
0x1: {  	s0 =	rddreg [dreg:$0x0];
	v0 =	vimm.s32 $0xEFCDAB89  }
0x2: {  	s1 =	rddreg [dreg:$0x1];
	v1 =	vimm.s32 $0x67452301;
	v2 =	vimm.s32 $0xDCFE98BA;
	v3 =	vimm.s32 $0x54761032  }
0x3: {  	s5 =	rddreg [dreg:$0x4];
	s2 =	srdreg.scid;
	v4 =	vimm.s32 $0xBA98FEDC;
	v5 =	vimm.s32 $0x32107654;
	v6 =	vimm.s32 $0xFEDCBA98  }
0x4: {  	s3 =	stileid.u32;
	s6 =	simm.s32 $0x0;
	v7 =	vimm.s32 $0x76543210;
	s16 =	simm.s32 $0x4;
	v0 =	vunpack.c.l.s4.s8 v0;
	v1 =	vunpack.c.l.s4.s8 v1  }
0x5: {  	s21 =	simm.s32 $0x1;
	s22 =	simm.s32 $0x80;
	s26 =	simm.s32 $0x2;
	v2 =	vunpack.c.l.s4.s8 v2;
	v3 =	vunpack.c.l.s4.s8 v3;
	v4 =	vunpack.c.l.s4.s8 v4  }
0x6: {  	s28 =	simm.s32 $0x3;
	s2 =	sand.u32 $0x1, s2;
	s3 =	sshll.u32 s3, $0x1;
	v5 =	vunpack.c.l.s4.s8 v5;
	v6 =	vunpack.c.l.s4.s8 v6;
	v7 =	vunpack.c.l.s4.s8 v7  }
0x7: {  	[smem:$0x7FF] =	sst s6;
	s7 =	sadd.s32 $0x1600, s0;
	s8 =	sadd.s32 $0x800, s0;
	v0 =	vunpack.c.0.s8.s32 v0;
	v1 =	vunpack.c.0.s8.s32 v1;
	v2 =	vunpack.c.0.s8.s32 v2  }
0x8: {  	s0 =	sadd.s32 $0x600, s0;
	s3 =	sor.u32 s2, s3;
	_ =	strace $0x80000047;
	v3 =	vunpack.c.0.s8.s32 v3;
	v4 =	vunpack.c.0.s8.s32 v4;
	v5 =	vunpack.c.0.s8.s32 v5  }
0x9: {  	[dreg:$0x6] =	wrdreg s8;
	s31 =	ssub.s32 $0x2, s2;
	s4 =	smul.u32 $0x1900, s3;
	v0 =	vcombine.low v1, v0;
	v1 =	vunpack.c.0.s8.s32 v6  }
0xa: {  	s29 =	simm.s32 $0x0;
	[dreg:$0x7] =	wrdreg s0;
	s2 =	sshrl.u32 s31, $0x1;
	v62 =	vunpack.c.0.s8.s32 v7;
	v2 =	vcombine.low v3, v2;
	v3 =	vcombine.low v5, v4  }
0xb: {  	s10 =	smul.u32 $0x6400, s3;
	s0 =	ssub.s32 s31, s2;
	s11 =	sadd.s32 s7, s4;
	v23 =	vand.u32 $0xF, v0;
	v63 =	vand.u32 $0xF, v1  }
0xc: {  	s12 =	smul.u32 $0x64, s3;
	s14 =	smax.u32 s0, $0x1;
	s13 =	sadd.s32 $0x40, s11;
	v1 =	vand.u32 $0xF, v2;
	v2 =	vand.u32 $0xF, v3;
	v0 =	vcombine.low v63, v62  }
.LBB2_1:
0xd: {  	s0 =	rddreg [dreg:$0x6];
	s2 =	simm.s32 $0x18600  }
0xe: {  	[tilespmem:s2], [sflag:$0x4] =	stream.linear.gather [hbm4b:s0+s6], $0x6400, $0x38;
	[tilespmem:$0x1EC00] =	vst v63  }
0xf: {  	_ =	swait.ge [sflag:s16], $0x6400  }
0x10: {  	[sflag:s16] =	ssyncset.done $0x0  }
0x11: {  	[sflag:s16] =	ssyncadd.s32 $0xFFFF9C00  }
0x12: {  	s15 =	simm.s32 $0x1EA00;
	s9 =	rddreg [dreg:$0x2]  }
0x13: {  	[tilespmem:s15], [sflag:$0x4] =	stream.linear.gather [hbm4b:s9+s6], $0x80, $0x38;
	[tilespmem:$0x1EC00] =	vst v63  }
0x14: {  	_ =	swait.ge [sflag:s16], $0x80  }
0x15: {  	[sflag:s16] =	ssyncset.done $0x0  }
0x16: {  	[sflag:s16] =	ssyncadd.s32 $0xFFFFFF80  }
0x17: {  	s18 =	simm.s32 $0x1EA80;
	s17 =	rddreg [dreg:$0x3]  }
0x18: {  	[tilespmem:s18], [sflag:$0x4] =	stream.linear.gather [hbm4b:s17+s6], $0x80, $0x38;
	[tilespmem:$0x1EC00] =	vst v63  }
0x19: {  	_ =	swait.ge [sflag:s16], $0x80  }
0x1a: {  	[sflag:s16] =	ssyncset.done $0x0  }
0x1b: {  	s20 =	simm.s32 $0x1EB00;
	s19 =	rddreg [dreg:$0x7];
	[sflag:s16] =	ssyncadd.s32 $0xFFFFFF80  }
0x1c: {  	[tilespmem:s20], [sflag:$0x4] =	stream.linear.gather [hbm4b:s19+s6], $0x80, $0x38;
	[tilespmem:$0x1EC00] =	vst v63  }
0x1d: {  	_ =	swait.ge [sflag:s16], $0x80  }
0x1e: {  	[sflag:s16] =	ssyncset.done $0x0  }
0x1f: {  	[sflag:s16] =	ssyncadd.s32 $0xFFFFFF80  }
0x20: {  	v12 =	vld [tilespmem:$0x1EA00]  }
0x21: {  	v11 =	vld [tilespmem:$0x1EA10]  }
0x22: {  	v15 =	vld [tilespmem:$0x1EA20]  }
0x23: {  	v14 =	vld [tilespmem:$0x1EA30]  }
0x24: {  	v13 =	vld [tilespmem:$0x1EA40]  }
0x25: {  	v16 =	vld [tilespmem:$0x1EA50]  }
0x26: {  	v3 =	vld [tilespmem:$0x1EA60]  }
0x27: {  	v9 =	vld [tilespmem:$0x1EA70]  }
0x28: {  	v17 =	vld [tilespmem:$0x1EA80]  }
0x29: {  	v53 =	vld [tilespmem:$0x1EA90]  }
0x2a: {  	v19 =	vld [tilespmem:$0x1EAA0]  }
0x2b: {  	v20 =	vld [tilespmem:$0x1EAB0]  }
0x2c: {  	v21 =	vld [tilespmem:$0x1EAC0]  }
0x2d: {  	v10 =	vld [tilespmem:$0x1EAD0]  }
0x2e: {  	v62 =	vld [tilespmem:$0x1EAE0]  }
0x2f: {  	v24 =	vld [tilespmem:$0x1EAF0]  }
0x30: {  	v25 =	vld [tilespmem:$0x1EB00]  }
0x31: {  	v26 =	vld [tilespmem:$0x1EB10]  }
0x32: {  	v27 =	vld [tilespmem:$0x1EB20]  }
0x33: {  	v18 =	vld [tilespmem:$0x1EB30]  }
0x34: {  	v40 =	vld [tilespmem:$0x1EB40]  }
0x35: {  	v43 =	vld [tilespmem:$0x1EB50]  }
0x36: {  	v44 =	vld [tilespmem:$0x1EB60]  }
0x37: {  	v58 =	vld [tilespmem:$0x1EB70];
	[tilespmem:s6], [sflag:$0x1] =	stream.linear.gather [hbm4b:s11+s6], $0x200, $0x38  }
0x38: {  	s23 =	simm.s32 $0x200  }
0x39: {  	[tilespmem:s23], [sflag:$0x1] =	stream.linear.gather [hbm4b:s13+s6], $0x200, $0x38;
	[tilespmem:$0x1EC00] =	vst v63  }
0x3a: {  	_ =	swait.ge [sflag:s21], $0x200  }
0x3b: {  	[tilespmem:$0x1FF80] =	vst v9  }
0x3c: {  	[tilespmem:$0x1FF90] =	vst v10  }
0x3d: {  	[tilespmem:$0x1FFA0] =	vst v25  }
0x3e: {  	[tilespmem:$0x1FFB0] =	vst v40  }
0x3f: {  	[tilespmem:$0x1FFC0] =	vst v43  }
0x40: {  	[sflag:s21] =	ssyncset.done $0x0;
	[tilespmem:$0x1FFD0] =	vst v44  }
0x41: {  	s24 =	simm.s32 $0x600;
	[sflag:s21] =	ssyncadd.s32 $0xFFFFFE00;
	[tilespmem:$0x1FFE0] =	vst v58  }
0x42: {  	[tilespmem:s24], [sflag:$0x2] =	stream.indirect.gather [hbm4b:s1+s22], $0x80, s6, s22, $0xb8;
	[tilespmem:$0x1EC00] =	vst v63  }
0x43: {  	s25 =	simm.s32 $0x100;
	s31 =	simm.s32 $0x4600;
	s30 =	simm.s32 $0x0;
	[tilespmem:$0x1FFF0] =	vst v53  }
0x44: {  	[tilespmem:s31], [sflag:$0x2] =	stream.indirect.gather [hbm4b:s1+s22], $0x80, s25, s22, $0xb8;
	[tilespmem:$0x1EC00] =	vst v63  }
.LBB2_2:
0x45: {  	s2 =	smul.u32 $0xAB, s30;
	_ =	sdelay $0x1  }
0x46: {  	s3 =	sadd.s32 $0xAB, s2  }
0x47: {  	p0 =	slt.u32 s30, $0x2;
	s3 =	sshrl.u32 s3, $0x9  }
0x48: {  	s4 =	simm.s32 @!p0 $0x3;
	s3 =	sand.u32 $0x7F, s3  }
0x49: {  	_ =	swait.ge @!p0 [sflag:s4], $0x8000;
	s3 =	smul.u32 $0x3, s3  }
0x4a: {  	s0 =	smov.u32 s30;
	s30 =	sadd.s32 $0x1, s30;
	[sflag:s4] =	ssyncset.done @!p0 $0x0  }
0x4b: {  	[sflag:s4] =	ssyncadd.s32 @!p0 $0xFFFF8000;
	s3 =	ssub.s32 s30, s3  }
0x4c: {  	s19 =	sadd.s32 $0x2, s0;
	_ =	swait.ge [sflag:s21], $0x200;
	s3 =	sand.u32 $0xFF, s3  }
0x4d: {  	s17 =	smul.u32 $0xAB, s19;
	[sflag:s21] =	ssyncset.done $0x0;
	s18 =	sshll.u32 s3, $0xF  }
0x4e: {  	[sflag:s21] =	ssyncadd.s32 $0xFFFFFE00;
	s3 =	sshll.u32 s3, $0x9;
	s15 =	sor.u32 $0x600, s18  }
0x4f: {  	[tilespmem:s15], [sflag:$0x2] =	stream.indirect.gather [hbm4b:s1+s22], $0x80, s3, s22, $0xb8;
	[tilespmem:$0x1EC00] =	vst v63  }
0x50: {  	s20 =	sshrl.u32 s17, $0x9;
	s4 =	sor.u32 $0x4600, s18;
	s3 =	sor.u32 $0x100, s3  }
0x51: {  	[tilespmem:s4], [sflag:$0x2] =	stream.indirect.gather [hbm4b:s1+s22], $0x80, s3, s22, $0xb8;
	[tilespmem:$0x1EC00] =	vst v63  }
0x52: {  	s3 =	sand.u32 $0x7F, s20  }
0x53: {  	s3 =	smul.u32 $0x3, s3  }
0x54: {  	s31 =	simm.s32 $0x0;
	s23 =	smin.u32 s19, $0x63  }
0x55: {  	s2 =	sshrl.u32 s2, $0x9;
	s4 =	sadd.s32 s12, s23;
	s3 =	ssub.s32 s19, s3  }
0x56: {  	s2 =	sand.u32 $0x7F, s2;
	s4 =	sshll.u32 s4, $0x6;
	s3 =	sand.u32 $0xFF, s3  }
0x57: {  	s2 =	smul.u32 $0x3, s2;
	s4 =	sadd.s32 s7, s4;
	s3 =	sshll.u32 s3, $0x9  }
0x58: {  	[tilespmem:s3], [sflag:$0x1] =	stream.linear.gather [hbm4b:s4+s31], $0x200, $0x38;
	[tilespmem:$0x1EC00] =	vst v63  }
0x59: {  	_ =	swait.ge [sflag:s26], $0x4000  }
0x5a: {  	s2 =	ssub.s32 s0, s2;
	[sflag:s26] =	ssyncset.done $0x0  }
0x5b: {  	s2 =	sand.u32 $0xFF, s2;
	[sflag:s26] =	ssyncadd.s32 $0xFFFFC000  }
0x5c: {  	s24 =	sshll.u32 s2, $0xF;
	_ =	swait.ge [sflag:s26], $0x4000  }
0x5d: {  	s25 =	sshll.u32 s0, $0x8;
	s0 =	sor.u32 $0x600, s24;
	[sflag:s26] =	ssyncset.done $0x0  }
0x5e: {  	s2 =	sshll.u32 s2, $0x9;
	v28 =	vmov s0;
	s4 =	sadd.s32 s10, s25;
	[sflag:s26] =	ssyncadd.s32 $0xFFFFC000  }
.LBB2_3:
0x5f: {  	s15 =	sshll.u32 s31, $0x5  }
0x60: {  	s3 =	sshll.u32 s31, $0x4;
	s15 =	sand.u32 $0x100, s15  }
0x61: {  	s17 =	sand.u32 $0x70, s3;
	s15 =	sadd.s32 s15, s2  }
0x62: {  	s15 =	sadd.s32 s17, s15  }
0x63: {  	v4 =	vld [tilespmem:s15+$0x80];
	_ =	sdelay $0x4  }
0x64: {  	p0 =	por $0x1, $0x1;
	s17 =	simm.s32 $0x0;
	s15 =	sor.u32 s4, s3;
	[tilespmem:$0x1FF70] =	vst v4  }
.LBB2_4:
0x65: {  	s18 =	sor.u32 s15, s17  }
0x66: {  	s19 =	smulhi.u32 $0x51EB851F, s18  }
0x67: {  	s20 =	sor.u32 s3, s17  }
0x68: {  	s20 =	sshll.u32 s20, $0x7;
	s19 =	sshrl.u32 s19, $0x6  }
0x69: {  	v22 =	vld [tilespmem:$0x1FF70];
	s20 =	sand.u32 $0x3FFFFF80, s20;
	s19 =	smul.u32 $0xC8, s19  }
0x6a: {  	v4 =	vld.idx.msk [tilespmem:v28+s20+$0x0 ss:$0x1], $0xffff  }
0x6b: {  	v6 =	vld.idx.msk [tilespmem:v28+s20+$0x10 ss:$0x1], $0xffff;
	s18 =	ssub.s32 s18, s19  }
0x6c: {  	v30 =	vld.idx.msk [tilespmem:v28+s20+$0x20 ss:$0x1], $0xffff;
	s18 =	sshll.u32 s18, $0x7  }
0x6d: {  	v8 =	vmov s17;
	v5 =	vld [tilespmem:s18+$0x18600]  }
0x6e: {  	v8 =	vperm.xlane v22, v8;
	v7 =	vld [tilespmem:s18+$0x18610]  }
0x6f: {  	v31 =	vld [tilespmem:s18+$0x18620]  }
0x70: {  	v33 =	vld.idx.msk [tilespmem:v28+s20+$0x30 ss:$0x1], $0xffff;
	v8 =	vcvt.s32.f32 v8  }
0x71: {  	v34 =	vld [tilespmem:s18+$0x18630]  }
0x72: {  	v35 =	vld [tilespmem:s18+$0x18640];
	v32 =	vmul.f32 v8, v25  }
0x73: {  	v49 =	vmul.f32 v8, v26;
	v4 =	vadd.f32 v5, v4;
	v5 =	vld.idx.msk [tilespmem:v28+s20+$0x40 ss:$0x1], $0xffff;
	v6 =	vadd.f32 v7, v6  }
0x74: {  	v37 =	vld.idx.msk [tilespmem:v28+s20+$0x50 ss:$0x1], $0xffff;
	v36 =	vmul.f32 v8, v27;
	v30 =	vadd.f32 v31, v30  }
0x75: {  	v32 =	vadd.f32 v4, v32;
	v31 =	vadd.f32 v6, v49;
	v4 =	vld [tilespmem:s18+$0x18650]  }
0x76: {  	v52 =	vld.idx.msk [tilespmem:v28+s20+$0x60 ss:$0x1], $0xffff;
	v51 =	vmul.f32 v8, v18;
	v50 =	vadd.f32 v34, v33;
	v30 =	vadd.f32 v30, v36  }
0x77: {  	v54 =	vld [tilespmem:s18+$0x18660];
	v55 =	vmul.f32 v32, v32;
	v38 =	vadd.f32 v31, v32;
	v39 =	vmul.f32 v31, v31  }
0x78: {  	v57 =	vld.idx.msk [tilespmem:v28+s20+$0x70 ss:$0x1], $0xffff;
	v56 =	vmul.f32 v8, v40;
	v41 =	vadd.f32 v50, v51;
	v5 =	vadd.f32 v35, v5  }
0x79: {  	v59 =	vld [tilespmem:s18+$0x18670];
	v60 =	vmul.f32 v30, v30;
	v36 =	vadd.f32 v39, v55;
	v38 =	vadd.f32 v30, v38  }
0x7a: {  	v42 =	vadd.f32 v5, v56;
	v4 =	vadd.f32 v4, v37;
	v5 =	vmul.f32 v8, v43  }
0x7b: {  	v43 =	vmul.f32 v41, v41;
	v61 =	vadd.f32 v60, v36;
	v63 =	vadd.f32 v41, v38  }
0x7c: {  	v39 =	vadd.f32 v4, v5;
	v4 =	vadd.f32 v54, v52;
	v5 =	vmul.f32 v8, v44  }
0x7d: {  	v45 =	vmul.f32 v42, v42;
	v6 =	vadd.f32 v43, v61;
	v44 =	vadd.f32 v42, v63  }
0x7e: {  	v40 =	vadd.f32 v4, v5;
	v4 =	vadd.f32 v59, v57;
	v5 =	vmul.f32 v8, v58  }
0x7f: {  	v8 =	vmul.f32 v39, v39;
	v6 =	vadd.f32 v45, v6;
	v46 =	vadd.f32 v39, v44  }
0x80: {  	v38 =	vadd.f32 v4, v5  }
0x81: {  	v47 =	vmul.f32 v40, v40;
	v4 =	vadd.f32 v8, v6;
	v5 =	vadd.f32 v40, v46;
	_ =	sdelay $0x1  }
0x82: {  	v48 =	vmul.f32 v38, v38;
	v4 =	vadd.f32 v47, v4;
	v5 =	vadd.f32 v38, v5;
	_ =	sdelay $0x1  }
0x83: {  	v4 =	vadd.f32 v48, v4;
	v49 =	vperm.xlane v5, v23;
	_ =	sdelay $0x1  }
0x84: {  	v5 =	vadd.f32 v5, v49;
	v50 =	vperm.xlane v4, v23  }
0x85: {  	s25 =	sor.u32 $0x1, s17  }
0x86: {  	s8 =	sor.u32 s15, s25;
	v51 =	vperm.xlane v5, v1;
	v4 =	vadd.f32 v50, v4  }
0x87: {  	s23 =	smulhi.u32 $0x51EB851F, s8  }
0x88: {  	v5 =	vadd.f32 v5, v51;
	v6 =	vperm.xlane v4, v1  }
0x89: {  	s23 =	sshrl.u32 s23, $0x6  }
0x8a: {  	s24 =	sor.u32 s3, s25;
	s23 =	smul.u32 $0xC8, s23;
	v7 =	vperm.xlane v5, v2;
	v4 =	vadd.f32 v6, v4  }
0x8b: {  	s24 =	sshll.u32 s24, $0x7  }
0x8c: {  	s19 =	ssub.s32 s8, s23;
	s23 =	sand.u32 $0x3FFFFF80, s24;
	v5 =	vadd.f32 v5, v7;
	v6 =	vperm.xlane v4, v2  }
0x8d: {  	s19 =	sshll.u32 s19, $0x7;
	v52 =	vld.idx.msk [tilespmem:v28+s23+$0x0 ss:$0x1], $0xffff  }
0x8e: {  	v54 =	vld [tilespmem:s19+$0x18610];
	v7 =	vperm.xlane v5, v0;
	v4 =	vadd.f32 v6, v4  }
0x8f: {  	v57 =	vld.idx.msk [tilespmem:v28+s23+$0x20 ss:$0x1], $0xffff  }
0x90: {  	v56 =	vmov s25;
	v59 =	vld [tilespmem:s19+$0x18620];
	v5 =	vadd.f32 v5, v7;
	v6 =	vperm.xlane v4, v0  }
0x91: {  	v34 =	vperm.xlane v22, v56;
	v8 =	vld [tilespmem:s19+$0x18600]  }
0x92: {  	v4 =	vadd.f32 v6, v4;
	v50 =	vmul.f32 $7.812500000e-03, v5;
	v5 =	vld.idx.msk [tilespmem:v28+s23+$0x10 ss:$0x1], $0xffff  }
0x93: {  	v60 =	vld.idx.msk [tilespmem:v28+s23+$0x30 ss:$0x1], $0xffff;
	v34 =	vcvt.s32.f32 v34  }
0x94: {  	v61 =	vld [tilespmem:s19+$0x18630];
	v4 =	vmul.f32 $7.812500000e-03, v4;
	v55 =	vmul.f32 v50, v50  }
0x95: {  	v35 =	vadd.f32 v59, v57;
	v47 =	vld.idx.msk [tilespmem:v28+s23+$0x50 ss:$0x1], $0xffff  }
0x96: {  	v7 =	vadd.f32 v8, v52;
	v8 =	vld.idx.msk [tilespmem:v28+s23+$0x40 ss:$0x1], $0xffff;
	v4 =	vsub.f32 v4, v55;
	v55 =	vmul.f32 v34, v27  }
0x97: {  	v63 =	vmul.f32 v34, v25;
	v52 =	vmul.f32 v34, v26;
	v5 =	vadd.f32 v54, v5;
	v54 =	vld [tilespmem:s19+$0x18640]  }
0x98: {  	v45 =	vadd.f32 v35, v55;
	v55 =	vld [tilespmem:$0x1FFC0]  }
0x99: {  	v48 =	vadd.f32 v7, v63;
	v43 =	vadd.f32 v5, v52;
	v5 =	vld [tilespmem:s19+$0x18650]  }
0x9a: {  	v56 =	vadd.f32 v61, v60;
	v60 =	vld [tilespmem:s19+$0x18660]  }
0x9b: {  	v59 =	vld.idx.msk [tilespmem:v28+s23+$0x60 ss:$0x1], $0xffff;
	v61 =	vmul.f32 v48, v48;
	v51 =	vmul.f32 v43, v43  }
0x9c: {  	v57 =	vmul.f32 v34, v18  }
0x9d: {  	v52 =	vld [tilespmem:$0x1FFB0];
	v44 =	vadd.f32 v54, v8;
	v54 =	vmul.f32 v45, v45;
	v36 =	vadd.f32 v51, v61  }
0x9e: {  	v46 =	vadd.f32 v56, v57;
	v6 =	vmul.f32 v34, v55;
	v5 =	vadd.f32 v5, v47  }
0x9f: {  	v63 =	vadd.f32 v43, v48;
	v56 =	vadd.f32 v54, v36  }
0xa0: {  	v36 =	vadd.f32 v5, v6;
	v5 =	vadd.f32 v60, v59;
	v59 =	vld [tilespmem:$0x1FFD0];
	_ =	sdelay $0x1  }
0xa1: {  	v8 =	vld.idx.msk [tilespmem:v28+s23+$0x70 ss:$0x1], $0xffff;
	v37 =	vadd.f32 v45, v63;
	v7 =	vmul.f32 v34, v52  }
0xa2: {  	v52 =	vld [tilespmem:s19+$0x18670]  }
0xa3: {  	v37 =	vadd.f32 v46, v37;
	v44 =	vadd.f32 v44, v7  }
0xa4: {  	v4 =	vadd.f32 $9.999999960e-13, v4;
	v6 =	vmul.f32 v34, v59  }
0xa5: {  	v60 =	vadd.f32 v44, v37  }
0xa6: {  	v57 =	vmul.f32 v46, v46;
	v49 =	vshra.s32 v4, $0x1;
	v37 =	vadd.f32 v5, v6  }
0xa7: {  	v63 =	vmul.f32 v34, v58;
	v5 =	vadd.f32 v52, v8;
	v8 =	vadd.f32 v36, v60  }
0xa8: {  	v4 =	vmul.f32 $5.000000000e-01, v4;
	v7 =	vadd.f32 v57, v56;
	v61 =	vmul.f32 v44, v44  }
0xa9: {  	v51 =	vsub.s32 $0x5F3759DF, v49;
	v35 =	vadd.f32 v5, v63;
	v52 =	vadd.f32 v37, v8  }
0xaa: {  	v47 =	vmul.f32 v36, v36;
	v7 =	vadd.f32 v61, v7;
	v8 =	vmul.f32 v51, v4  }
0xab: {  	v6 =	vadd.f32 v35, v52  }
0xac: {  	v5 =	vadd.f32 v47, v7;
	v54 =	vmul.f32 v37, v37;
	v8 =	vmul.f32 v51, v8  }
0xad: {  	v56 =	vperm.xlane v6, v23  }
0xae: {  	v5 =	vadd.f32 v54, v5;
	v55 =	vmul.f32 v35, v35;
	v8 =	vsub.f32 $1.500000000e+00, v8  }
0xaf: {  	s18 =	sor.u32 $0x2, s17;
	v6 =	vadd.f32 v6, v56  }
0xb0: {  	s9 =	sor.u32 s15, s18;
	v5 =	vadd.f32 v55, v5;
	v8 =	vmul.f32 v51, v8  }
0xb1: {  	s8 =	smulhi.u32 $0x51EB851F, s9;
	v58 =	vperm.xlane v6, v1  }
0xb2: {  	v57 =	vperm.xlane v5, v23;
	v4 =	vmul.f32 v8, v4  }
0xb3: {  	s24 =	sshrl.u32 s8, $0x6;
	v6 =	vadd.f32 v6, v58  }
0xb4: {  	s24 =	smul.u32 $0xC8, s24;
	v5 =	vadd.f32 v57, v5;
	v4 =	vmul.f32 v4, v8  }
0xb5: {  	v33 =	vperm.xlane v6, v2  }
0xb6: {  	s24 =	ssub.s32 s9, s24;
	v7 =	vperm.xlane v5, v1;
	v4 =	vsub.f32 $1.500000000e+00, v4  }
0xb7: {  	s25 =	sor.u32 s3, s18;
	s24 =	sshll.u32 s24, $0x7;
	v6 =	vadd.f32 v6, v33  }
0xb8: {  	s25 =	sshll.u32 s25, $0x7;
	v31 =	vsub.f32 v31, v50;
	v60 =	vld [tilespmem:s24+$0x18600];
	v5 =	vadd.f32 v7, v5;
	v4 =	vmul.f32 v4, v8  }
0xb9: {  	s19 =	sand.u32 $0x3FFFFF80, s25;
	v63 =	vld [tilespmem:s24+$0x18620];
	v59 =	vperm.xlane v6, v0  }
0xba: {  	v54 =	vld.idx.msk [tilespmem:v28+s19+$0x30 ss:$0x1], $0xffff;
	v7 =	vperm.xlane v5, v2;
	v31 =	vmul.f32 v4, v31  }
0xbb: {  	v61 =	vmov s18;
	v57 =	vld.idx.msk [tilespmem:v28+s19+$0x10 ss:$0x1], $0xffff;
	v6 =	vadd.f32 v6, v59  }
0xbc: {  	v8 =	vsub.f32 v32, v50;
	v32 =	vld.idx.msk [tilespmem:v28+s19+$0x20 ss:$0x1], $0xffff;
	v5 =	vadd.f32 v7, v5;
	v31 =	vmul.f32 v31, v11  }
0xbd: {  	v58 =	vld [tilespmem:s24+$0x18610];
	v49 =	vmul.f32 $7.812500000e-03, v6;
	v6 =	vperm.xlane v22, v61  }
0xbe: {  	v56 =	vperm.xlane v5, v0;
	v55 =	vadd.f32 v31, v53;
	v31 =	vld [tilespmem:s24+$0x18630]  }
0xbf: {  	v33 =	vld.idx.msk [tilespmem:v28+s19+$0x40 ss:$0x1], $0xffff;
	v6 =	vcvt.s32.f32 v6  }
0xc0: {  	v5 =	vadd.f32 v56, v5;
	v56 =	vld [tilespmem:s24+$0x18640]  }
0xc1: {  	v7 =	vld.idx.msk [tilespmem:v28+s19+$0x0 ss:$0x1], $0xffff;
	v32 =	vadd.f32 v63, v32;
	v63 =	vmul.f32 v6, v27  }
0xc2: {  	v34 =	vadd.f32 v58, v57;
	v61 =	vmul.f32 v6, v26  }
0xc3: {  	v31 =	vadd.f32 v31, v54;
	v47 =	vadd.f32 v32, v63;
	v32 =	vmul.f32 v6, v18  }
0xc4: {  	v53 =	vadd.f32 v34, v61  }
0xc5: {  	v34 =	vadd.f32 v31, v32;
	v31 =	vadd.f32 v56, v33;
	v56 =	vld [tilespmem:$0x1FFB0]  }
0xc6: {  	v7 =	vadd.f32 v60, v7;
	v60 =	vmul.f32 v6, v25;
	_ =	sdelay $0x1  }
0xc7: {  	v57 =	vld.idx.msk [tilespmem:v28+s19+$0x50 ss:$0x1], $0xffff;
	v5 =	vmul.f32 $7.812500000e-03, v5;
	v59 =	vmul.f32 v49, v49;
	v52 =	vadd.f32 v7, v60  }
0xc8: {  	v7 =	vld [tilespmem:s24+$0x18650]  }
0xc9: {  	v5 =	vsub.f32 v5, v59;
	v59 =	vadd.f32 v53, v52;
	v32 =	vmul.f32 v6, v56  }
0xca: {  	v51 =	vld.idx.msk [tilespmem:v28+s19+$0x60 ss:$0x1], $0xffff  }
0xcb: {  	v59 =	vadd.f32 v47, v59;
	v33 =	vadd.f32 v31, v32;
	v31 =	vld [tilespmem:$0x1FFC0]  }
0xcc: {  	v8 =	vmul.f32 v4, v8;
	v54 =	vld [tilespmem:s24+$0x18660];
	v58 =	vmul.f32 v52, v52  }
0xcd: {  	v60 =	vmul.f32 v53, v53;
	v7 =	vadd.f32 v7, v57;
	v57 =	vadd.f32 v34, v59;
	v59 =	vld [tilespmem:$0x1FFD0]  }
0xce: {  	v30 =	vsub.f32 v30, v50  }
0xcf: {  	v8 =	vmul.f32 v8, v12;
	v58 =	vadd.f32 v60, v58;
	v60 =	vmul.f32 v47, v47  }
0xd0: {  	v41 =	vsub.f32 v41, v50;
	v42 =	vsub.f32 v42, v50;
	v61 =	vld [tilespmem:s24+$0x18670];
	v31 =	vmul.f32 v6, v31  }
0xd1: {  	v8 =	vadd.f32 v8, v17;
	v63 =	vmul.f32 v34, v34;
	v60 =	vadd.f32 v60, v58;
	v56 =	vld.idx.msk [tilespmem:v28+s19+$0x70 ss:$0x1], $0xffff  }
0xd2: {  	v31 =	vadd.f32 v7, v31;
	v7 =	vadd.f32 v54, v51;
	v51 =	vmul.f32 v6, v59;
	v59 =	vld [tilespmem:$0x1FFE0]  }
0xd3: {  	v39 =	vsub.f32 v39, v50;
	v60 =	vadd.f32 v63, v60;
	v63 =	vmul.f32 v33, v33  }
0xd4: {  	v40 =	vsub.f32 v40, v50;
	[tilespmem:v28+s20+$0x0 ss:$0x1] =	vst.idx.msk $0xffff, v8;
	v5 =	vadd.f32 $9.999999960e-13, v5  }
0xd5: {  	v8 =	vmul.f32 v4, v30;
	v57 =	vadd.f32 v33, v57;
	v60 =	vadd.f32 v63, v60  }
0xd6: {  	v32 =	vadd.f32 v7, v51;
	v7 =	vadd.f32 v61, v56;
	v63 =	vmul.f32 v31, v31  }
0xd7: {  	v61 =	vadd.f32 v31, v57;
	v57 =	vshra.s32 v5, $0x1;
	v6 =	vmul.f32 v6, v59  }
0xd8: {  	v5 =	vmul.f32 $5.000000000e-01, v5;
	v54 =	vsub.s32 $0x5F3759DF, v57;
	v60 =	vadd.f32 v63, v60  }
0xd9: {  	v61 =	vadd.f32 v32, v61;
	v63 =	vmul.f32 v32, v32;
	v30 =	vadd.f32 v7, v6  }
0xda: {  	v38 =	vsub.f32 v38, v50;
	v41 =	vmul.f32 v4, v41;
	v59 =	vmul.f32 v54, v5  }
0xdb: {  	v6 =	vadd.f32 v63, v60;
	v7 =	vadd.f32 v30, v61;
	v58 =	vmul.f32 v30, v30  }
0xdc: {  	v42 =	vmul.f32 v4, v42;
	[tilespmem:v28+s20+$0x10 ss:$0x1] =	vst.idx.msk $0xffff, v55;
	v8 =	vmul.f32 v8, v15;
	s24 =	sor.u32 $0x3, s17  }
0xdd: {  	s9 =	sor.u32 s15, s24;
	v55 =	vmul.f32 v54, v59;
	v6 =	vadd.f32 v58, v6;
	v60 =	vperm.xlane v7, v23  }
0xde: {  	v39 =	vmul.f32 v4, v39;
	v40 =	vmul.f32 v4, v40;
	v8 =	vadd.f32 v8, v19;
	s8 =	smulhi.u32 $0x51EB851F, s9  }
0xdf: {  	v63 =	vsub.f32 $1.500000000e+00, v55;
	v7 =	vadd.f32 v7, v60;
	v61 =	vperm.xlane v6, v23  }
0xe0: {  	v41 =	vmul.f32 v41, v14;
	[tilespmem:v28+s20+$0x20 ss:$0x1] =	vst.idx.msk $0xffff, v8;
	v8 =	vmul.f32 v42, v13;
	s25 =	sshrl.u32 s8, $0x6  }
0xe1: {  	s25 =	smul.u32 $0xC8, s25;
	v42 =	vmul.f32 v54, v63;
	v57 =	vperm.xlane v7, v1;
	v6 =	vadd.f32 v61, v6  }
0xe2: {  	v39 =	vmul.f32 v39, v16;
	v40 =	vmul.f32 v40, v3;
	v41 =	vadd.f32 v41, v20  }
0xe3: {  	s8 =	sor.u32 s3, s24;
	s25 =	ssub.s32 s9, s25;
	v5 =	vmul.f32 v42, v5;
	v7 =	vadd.f32 v7, v57;
	v51 =	vperm.xlane v6, v1  }
0xe4: {  	v39 =	vadd.f32 v39, v10;
	v4 =	vmul.f32 v4, v38;
	v8 =	vadd.f32 v8, v21;
	s8 =	sshll.u32 s8, $0x7;
	s9 =	sshll.u32 s25, $0x7  }
0xe5: {  	s18 =	sand.u32 $0x3FFFFF80, s8;
	v38 =	vld [tilespmem:s9+$0x18600];
	v5 =	vmul.f32 v5, v42;
	v58 =	vperm.xlane v7, v2;
	v6 =	vadd.f32 v51, v6  }
0xe6: {  	[tilespmem:v28+s20+$0x30 ss:$0x1] =	vst.idx.msk $0xffff, v41;
	v55 =	vadd.f32 v40, v62;
	v40 =	vmul.f32 v4, v9;
	v54 =	vld.idx.msk [tilespmem:v28+s18+$0x10 ss:$0x1], $0xffff  }
0xe7: {  	[tilespmem:v28+s20+$0x40 ss:$0x1] =	vst.idx.msk $0xffff, v8;
	v4 =	vsub.f32 $1.500000000e+00, v5;
	v5 =	vld [tilespmem:s9+$0x18610];
	v7 =	vadd.f32 v7, v58;
	v59 =	vperm.xlane v6, v2  }
0xe8: {  	[tilespmem:v28+s20+$0x50 ss:$0x1] =	vst.idx.msk $0xffff, v39;
	v39 =	vld [tilespmem:s9+$0x18630]  }
0xe9: {  	v60 =	vmov s24;
	v51 =	vld.idx.msk [tilespmem:v28+s18+$0x0 ss:$0x1], $0xffff;
	v8 =	vperm.xlane v7, v0;
	v6 =	vadd.f32 v59, v6  }
0xea: {  	v63 =	vld [tilespmem:s9+$0x18620];
	v41 =	vperm.xlane v22, v60  }
0xeb: {  	v57 =	vadd.f32 v40, v24;
	v40 =	vld.idx.msk [tilespmem:v28+s18+$0x30 ss:$0x1], $0xffff;
	v7 =	vadd.f32 v7, v8;
	v8 =	vperm.xlane v6, v0  }
0xec: {  	v5 =	vadd.f32 v5, v54;
	v54 =	vld [tilespmem:s9+$0x18640];
	v59 =	vcvt.s32.f32 v41  }
0xed: {  	v6 =	vadd.f32 v8, v6;
	v8 =	vld.idx.msk [tilespmem:v28+s18+$0x40 ss:$0x1], $0xffff  }
0xee: {  	v61 =	vld.idx.msk [tilespmem:v28+s18+$0x20 ss:$0x1], $0xffff;
	v50 =	vmul.f32 $7.812500000e-03, v7;
	v7 =	vadd.f32 v38, v51;
	v51 =	vmul.f32 v59, v25  }
0xef: {  	v41 =	vmul.f32 v59, v26  }
0xf0: {  	v60 =	vld.idx.msk [tilespmem:v28+s18+$0x50 ss:$0x1], $0xffff;
	v38 =	vmul.f32 v59, v18;
	v51 =	vadd.f32 v7, v51;
	v7 =	vadd.f32 v39, v40  }
0xf1: {  	v29 =	vmovc v13;
	v13 =	vmov v62;
	v62 =	vsub.f32 v48, v49;
	v48 =	vadd.f32 v5, v41;
	v5 =	vld [tilespmem:s9+$0x18650]  }
0xf2: {  	v40 =	vadd.f32 v7, v38;
	v7 =	vadd.f32 v54, v8;
	v8 =	vld [tilespmem:$0x1FFB0]  }
0xf3: {  	v58 =	vsub.f32 v43, v49;
	v43 =	vadd.f32 v63, v61;
	v56 =	vmul.f32 v59, v27  }
0xf4: {  	v4 =	vmul.f32 v4, v42  }
0xf5: {  	v43 =	vadd.f32 v43, v56;
	v63 =	vmul.f32 v48, v48;
	v39 =	vmul.f32 v51, v51  }
0xf6: {  	v42 =	vmul.f32 v4, v62;
	v62 =	vld [tilespmem:s9+$0x18660];
	v5 =	vadd.f32 v5, v60  }
0xf7: {  	v60 =	vld [tilespmem:$0x1FFC0];
	v38 =	vadd.f32 v63, v39;
	v63 =	vmul.f32 v43, v43;
	v8 =	vmul.f32 v59, v8  }
0xf8: {  	v56 =	vld.idx.msk [tilespmem:v28+s18+$0x60 ss:$0x1], $0xffff;
	v41 =	vadd.f32 v48, v51  }
0xf9: {  	v39 =	vadd.f32 v7, v8;
	v8 =	vadd.f32 v63, v38;
	v63 =	vld [tilespmem:$0x1FFD0]  }
0xfa: {  	v9 =	vld [tilespmem:s9+$0x18670]  }
0xfb: {  	v54 =	vld.idx.msk [tilespmem:v28+s18+$0x70 ss:$0x1], $0xffff;
	v41 =	vadd.f32 v43, v41  }
0xfc: {  	v7 =	vmul.f32 v59, v60  }
0xfd: {  	v38 =	vadd.f32 v40, v41  }
0xfe: {  	v41 =	vadd.f32 v5, v7;
	v5 =	vadd.f32 v62, v56;
	v7 =	vmul.f32 v59, v63  }
0xff: {  	v56 =	vadd.f32 v39, v38  }
0x100: {  	v38 =	vadd.f32 v5, v7;
	v5 =	vadd.f32 v9, v54;
	v54 =	vld [tilespmem:$0x1FFE0]  }
0x101: {  	v60 =	vmul.f32 v40, v40;
	_ =	sdelay $0x1  }
0x102: {  	v45 =	vsub.f32 v45, v49;
	v8 =	vadd.f32 v60, v8;
	v60 =	vmul.f32 v39, v39  }
0x103: {  	v46 =	vsub.f32 v46, v49;
	v6 =	vmul.f32 $7.812500000e-03, v6;
	v9 =	vadd.f32 v41, v56  }
0x104: {  	v8 =	vadd.f32 v60, v8;
	v60 =	vmul.f32 v41, v41;
	v7 =	vmul.f32 v59, v54  }
0x105: {  	v61 =	vmul.f32 v50, v50;
	v62 =	vmul.f32 v42, v12;
	v63 =	vadd.f32 v38, v9  }
0x106: {  	v42 =	vadd.f32 v5, v7;
	v5 =	vadd.f32 v60, v8;
	v8 =	vmul.f32 v38, v38  }
0x107: {  	v44 =	vsub.f32 v44, v49;
	v6 =	vsub.f32 v6, v61  }
0x108: {  	v5 =	vadd.f32 v8, v5;
	v7 =	vadd.f32 v42, v63;
	v8 =	vmul.f32 v42, v42  }
0x109: {  	v36 =	vsub.f32 v36, v49;
	v6 =	vadd.f32 $9.999999960e-13, v6  }
0x10a: {  	v10 =	vld [tilespmem:$0x1FF80];
	v35 =	vsub.f32 v35, v49;
	v5 =	vadd.f32 v8, v5;
	v8 =	vperm.xlane v7, v23  }
0x10b: {  	v45 =	vmul.f32 v4, v45;
	v9 =	vadd.f32 v62, v17;
	v60 =	vshra.s32 v6, $0x1  }
0x10c: {  	[tilespmem:v28+s20+$0x60 ss:$0x1] =	vst.idx.msk $0xffff, v55;
	v6 =	vmul.f32 $5.000000000e-01, v6;
	v7 =	vadd.f32 v7, v8;
	v8 =	vperm.xlane v5, v23  }
0x10d: {  	v46 =	vmul.f32 v4, v46;
	v35 =	vmul.f32 v4, v35;
	[tilespmem:v28+s23+$0x0 ss:$0x1] =	vst.idx.msk $0xffff, v9;
	v9 =	vsub.s32 $0x5F3759DF, v60  }
0x10e: {  	v55 =	vmul.f32 v9, v6;
	v61 =	vperm.xlane v7, v1;
	v5 =	vadd.f32 v8, v5  }
0x10f: {  	s8 =	sor.u32 $0x4, s17;
	[tilespmem:v28+s20+$0x70 ss:$0x1] =	vst.idx.msk $0xffff, v57;
	v44 =	vmul.f32 v4, v44;
	v35 =	vmul.f32 v35, v10  }
0x110: {  	s20 =	sor.u32 s15, s8;
	v10 =	vld [tilespmem:$0x1FF90];
	v55 =	vmul.f32 v9, v55;
	v7 =	vadd.f32 v7, v61;
	v63 =	vperm.xlane v5, v1  }
0x111: {  	s25 =	smulhi.u32 $0x51EB851F, s20;
	v36 =	vmul.f32 v4, v36;
	v59 =	vmul.f32 v4, v58;
	v58 =	vld [tilespmem:$0x1FFF0]  }
0x112: {  	v62 =	vsub.f32 $1.500000000e+00, v55;
	v55 =	vperm.xlane v7, v2;
	v5 =	vadd.f32 v63, v5  }
0x113: {  	v37 =	vsub.f32 v37, v49;
	s24 =	sshrl.u32 s25, $0x6;
	v45 =	vmul.f32 v45, v15;
	v36 =	vmul.f32 v36, v16  }
0x114: {  	s24 =	smul.u32 $0xC8, s24;
	s9 =	sor.u32 s3, s8;
	v54 =	vmul.f32 v59, v11;
	v7 =	vadd.f32 v7, v55;
	v56 =	vperm.xlane v5, v2  }
0x115: {  	v44 =	vmul.f32 v44, v29;
	s25 =	sshll.u32 s9, $0x7;
	v36 =	vadd.f32 v36, v10;
	v9 =	vmul.f32 v9, v62  }
0x116: {  	s24 =	ssub.s32 s20, s24;
	v10 =	vld [tilespmem:$0x1FFB0];
	s20 =	sand.u32 $0x3FFFFF80, s25;
	v54 =	vadd.f32 v54, v58;
	v57 =	vperm.xlane v7, v0;
	v5 =	vadd.f32 v56, v5  }
0x117: {  	v45 =	vadd.f32 v45, v19;
	s24 =	sshll.u32 s24, $0x7;
	v49 =	vld.idx.msk [tilespmem:v28+s20+$0x20 ss:$0x1], $0xffff;
	v8 =	vmul.f32 v46, v14;
	v6 =	vmul.f32 v9, v6  }
0x118: {  	[tilespmem:v28+s23+$0x10 ss:$0x1] =	vst.idx.msk $0xffff, v54;
	v54 =	vld [tilespmem:s24+$0x18600];
	v7 =	vadd.f32 v7, v57;
	v59 =	vperm.xlane v5, v0  }
0x119: {  	v46 =	vld.idx.msk [tilespmem:v28+s20+$0x0 ss:$0x1], $0xffff;
	v8 =	vadd.f32 v8, v20;
	v6 =	vmul.f32 v6, v9  }
0x11a: {  	v44 =	vadd.f32 v44, v21;
	[tilespmem:v28+s23+$0x20 ss:$0x1] =	vst.idx.msk $0xffff, v45;
	v62 =	vld [tilespmem:s24+$0x18610];
	v5 =	vadd.f32 v59, v5;
	v45 =	vmul.f32 $7.812500000e-03, v7  }
0x11b: {  	v37 =	vmul.f32 v4, v37;
	v61 =	vld.idx.msk [tilespmem:v28+s20+$0x10 ss:$0x1], $0xffff;
	[tilespmem:v28+s23+$0x30 ss:$0x1] =	vst.idx.msk $0xffff, v8;
	v6 =	vsub.f32 $1.500000000e+00, v6  }
0x11c: {  	v63 =	vmov s8;
	[tilespmem:v28+s23+$0x40 ss:$0x1] =	vst.idx.msk $0xffff, v44;
	v44 =	vld [tilespmem:s24+$0x18640];
	v5 =	vmul.f32 $7.812500000e-03, v5;
	v8 =	vmul.f32 v45, v45  }
0x11d: {  	v4 =	vmul.f32 v6, v9;
	v9 =	vsub.f32 v53, v50;
	v53 =	vperm.xlane v22, v63;
	v56 =	vld.idx.msk [tilespmem:v28+s20+$0x30 ss:$0x1], $0xffff  }
0x11e: {  	v37 =	vmul.f32 v37, v3;
	v5 =	vsub.f32 v5, v8;
	v8 =	vld [tilespmem:s24+$0x18630]  }
0x11f: {  	v60 =	vsub.f32 v52, v50;
	v55 =	vld [tilespmem:s24+$0x18620];
	v57 =	vcvt.s32.f32 v53  }
0x120: {  	v37 =	vadd.f32 v37, v13;
	v35 =	vadd.f32 v35, v24;
	v9 =	vmul.f32 v4, v9;
	v53 =	vld.idx.msk [tilespmem:v28+s20+$0x40 ss:$0x1], $0xffff  }
0x121: {  	v6 =	vmul.f32 v4, v60;
	v60 =	vld [tilespmem:s24+$0x18650];
	v7 =	vadd.f32 v62, v61;
	v52 =	vmul.f32 v57, v26  }
0x122: {  	v47 =	vsub.f32 v47, v50;
	v46 =	vadd.f32 v54, v46;
	v9 =	vmul.f32 v9, v11;
	v59 =	vld.idx.msk [tilespmem:v28+s20+$0x50 ss:$0x1], $0xffff  }
0x123: {  	v52 =	vadd.f32 v7, v52;
	v7 =	vadd.f32 v8, v56;
	v56 =	vmul.f32 v57, v10;
	v10 =	vld [tilespmem:$0x1FFC0]  }
0x124: {  	v9 =	vadd.f32 v9, v58;
	v58 =	vmul.f32 v4, v47;
	v47 =	vmul.f32 v57, v25  }
0x125: {  	v34 =	vsub.f32 v34, v50;
	v33 =	vsub.f32 v33, v50  }
0x126: {  	v61 =	vld [tilespmem:s24+$0x18660];
	v54 =	vadd.f32 v46, v47;
	v46 =	vadd.f32 v55, v49;
	v47 =	vmul.f32 v57, v27  }
0x127: {  	v31 =	vsub.f32 v31, v50;
	v44 =	vadd.f32 v44, v53;
	v49 =	vld.idx.msk [tilespmem:v28+s20+$0x60 ss:$0x1], $0xffff  }
0x128: {  	v55 =	vadd.f32 v46, v47;
	v46 =	vadd.f32 v60, v59;
	v60 =	vmul.f32 v57, v10;
	v10 =	vld [tilespmem:$0x1FFD0]  }
0x129: {  	v32 =	vsub.f32 v32, v50;
	v5 =	vadd.f32 $9.999999960e-13, v5;
	v8 =	vmul.f32 v57, v18  }
0x12a: {  	v34 =	vmul.f32 v4, v34;
	v56 =	vadd.f32 v44, v56;
	v44 =	vadd.f32 v52, v54  }
0x12b: {  	v62 =	vmul.f32 v54, v54;
	v47 =	vld.idx.msk [tilespmem:v28+s20+$0x70 ss:$0x1], $0xffff;
	v53 =	vadd.f32 v7, v8;
	v8 =	vmul.f32 v52, v52  }
0x12c: {  	v33 =	vmul.f32 v4, v33;
	v59 =	vld [tilespmem:s24+$0x18670];
	v49 =	vadd.f32 v61, v49;
	v44 =	vadd.f32 v55, v44  }
0x12d: {  	v7 =	vadd.f32 v8, v62;
	v8 =	vmul.f32 v55, v55;
	v61 =	vmul.f32 v57, v10;
	v10 =	vld [tilespmem:$0x1FFE0]  }
0x12e: {  	[tilespmem:v28+s23+$0x50 ss:$0x1] =	vst.idx.msk $0xffff, v36;
	v31 =	vmul.f32 v4, v31;
	v36 =	vshra.s32 v5, $0x1;
	v63 =	vadd.f32 v53, v44  }
0x12f: {  	v5 =	vmul.f32 $5.000000000e-01, v5;
	v7 =	vadd.f32 v8, v7;
	v8 =	vmul.f32 v53, v53  }
0x130: {  	[tilespmem:v28+s23+$0x60 ss:$0x1] =	vst.idx.msk $0xffff, v37;
	v36 =	vsub.s32 $0x5F3759DF, v36;
	v46 =	vadd.f32 v46, v60;
	v37 =	vadd.f32 v56, v63  }
0x131: {  	v47 =	vadd.f32 v59, v47;
	v7 =	vadd.f32 v8, v7;
	v8 =	vmul.f32 v56, v56  }
0x132: {  	v37 =	vadd.f32 v46, v37;
	v44 =	vadd.f32 v49, v61;
	v57 =	vmul.f32 v57, v10  }
0x133: {  	v60 =	vmul.f32 v36, v5;
	v7 =	vadd.f32 v8, v7;
	v8 =	vmul.f32 v46, v46  }
0x134: {  	v32 =	vmul.f32 v4, v32;
	v37 =	vadd.f32 v44, v37;
	v47 =	vadd.f32 v47, v57  }
0x135: {  	v49 =	vmul.f32 v36, v60;
	v7 =	vadd.f32 v8, v7;
	v8 =	vmul.f32 v44, v44  }
0x136: {  	v6 =	vmul.f32 v6, v12;
	v34 =	vmul.f32 v34, v14;
	v37 =	vadd.f32 v47, v37  }
0x137: {  	s8 =	sor.u32 $0x5, s17;
	v62 =	vsub.f32 $1.500000000e+00, v49;
	v7 =	vadd.f32 v8, v7;
	v8 =	vmul.f32 v47, v47  }
0x138: {  	[tilespmem:v28+s23+$0x70 ss:$0x1] =	vst.idx.msk $0xffff, v35;
	s23 =	sor.u32 s15, s8;
	v33 =	vmul.f32 v33, v29;
	v10 =	vld [tilespmem:$0x1FF90];
	v63 =	vperm.xlane v37, v23  }
0x139: {  	s25 =	smulhi.u32 $0x51EB851F, s23;
	v6 =	vadd.f32 v6, v17;
	v35 =	vmul.f32 v36, v62;
	v7 =	vadd.f32 v8, v7  }
0x13a: {  	v61 =	vmul.f32 v58, v15;
	v8 =	vadd.f32 v34, v20;
	v34 =	vadd.f32 v37, v63  }
0x13b: {  	v30 =	vsub.f32 v30, v50;
	s24 =	sshrl.u32 s25, $0x6;
	v59 =	vmul.f32 v31, v16;
	v5 =	vmul.f32 v35, v5  }
0x13c: {  	s9 =	sor.u32 s3, s8;
	[tilespmem:v28+s19+$0x0 ss:$0x1] =	vst.idx.msk $0xffff, v6;
	s24 =	smul.u32 $0xC8, s24;
	v57 =	vadd.f32 v61, v19;
	v58 =	vperm.xlane v34, v1  }
0x13d: {  	s25 =	sshll.u32 s9, $0x7;
	v5 =	vmul.f32 v5, v35;
	v6 =	vadd.f32 v59, v10;
	v10 =	vld [tilespmem:$0x1FF80];
	v49 =	vperm.xlane v7, v23  }
0x13e: {  	v32 =	vmul.f32 v32, v3;
	s24 =	ssub.s32 s23, s24;
	s23 =	sand.u32 $0x3FFFFF80, s25;
	v61 =	vadd.f32 v33, v21;
	v33 =	vadd.f32 v34, v58  }
0x13f: {  	v4 =	vmul.f32 v4, v30;
	v36 =	vld.idx.msk [tilespmem:v28+s23+$0x0 ss:$0x1], $0xffff;
	v5 =	vsub.f32 $1.500000000e+00, v5;
	v7 =	vadd.f32 v49, v7  }
0x140: {  	s24 =	sshll.u32 s24, $0x7;
	v62 =	vmov s8;
	v59 =	vadd.f32 v32, v13;
	v32 =	vld.idx.msk [tilespmem:v28+s23+$0x40 ss:$0x1], $0xffff;
	v30 =	vperm.xlane v33, v2  }
0x141: {  	v37 =	vld [tilespmem:s24+$0x18600];
	v60 =	vmul.f32 v5, v35;
	v5 =	vsub.f32 v51, v45;
	v31 =	vperm.xlane v7, v1  }
0x142: {  	v63 =	vperm.xlane v22, v62;
	v35 =	vld.idx.msk [tilespmem:v28+s23+$0x20 ss:$0x1], $0xffff;
	v4 =	vmul.f32 v4, v10;
	v30 =	vadd.f32 v33, v30  }
0x143: {  	v51 =	vld [tilespmem:s24+$0x18620];
	v5 =	vmul.f32 v60, v5;
	v7 =	vadd.f32 v31, v7  }
0x144: {  	v34 =	vld.idx.msk [tilespmem:v28+s23+$0x10 ss:$0x1], $0xffff;
	v50 =	vadd.f32 v4, v24;
	v33 =	vcvt.s32.f32 v63;
	v4 =	vperm.xlane v30, v0  }
0x145: {  	[tilespmem:v28+s19+$0x10 ss:$0x1] =	vst.idx.msk $0xffff, v9;
	v5 =	vmul.f32 v5, v12;
	v31 =	vld [tilespmem:s24+$0x18610];
	v9 =	vperm.xlane v7, v2  }
0x146: {  	v4 =	vadd.f32 v30, v4;
	v30 =	vadd.f32 v37, v36;
	v36 =	vmul.f32 v33, v25;
	v25 =	vld [tilespmem:$0x1FFB0]  }
0x147: {  	v58 =	vld.idx.msk [tilespmem:v28+s23+$0x30 ss:$0x1], $0xffff;
	v5 =	vadd.f32 v5, v17  }
0x148: {  	v7 =	vadd.f32 v9, v7;
	v9 =	vld [tilespmem:s24+$0x18630]  }
0x149: {  	v62 =	vld [tilespmem:s24+$0x18640];
	[tilespmem:$0x1FEC0] =	vst v5;
	v5 =	vsub.f32 v48, v45  }
0x14a: {  	v31 =	vadd.f32 v31, v34;
	v34 =	vmul.f32 v33, v26;
	v48 =	vperm.xlane v7, v0  }
0x14b: {  	v37 =	vadd.f32 v30, v36;
	v30 =	vadd.f32 v51, v35;
	v35 =	vmul.f32 v33, v25;
	v25 =	vld [tilespmem:$0x1FFC0]  }
0x14c: {  	v10 =	vld.idx.msk [tilespmem:v28+s23+$0x60 ss:$0x1], $0xffff;
	v7 =	vadd.f32 v48, v7;
	v51 =	vmul.f32 v33, v27  }
0x14d: {  	v63 =	vld.idx.msk [tilespmem:v28+s23+$0x50 ss:$0x1], $0xffff;
	v36 =	vadd.f32 v31, v34;
	v31 =	vmul.f32 v33, v18;
	v9 =	vadd.f32 v9, v58  }
0x14e: {  	v48 =	vld [tilespmem:s24+$0x18650];
	v34 =	vadd.f32 v30, v51;
	v30 =	vadd.f32 v62, v32  }
0x14f: {  	v49 =	vmov v13;
	v58 =	vld [tilespmem:s24+$0x18660];
	v13 =	vadd.f32 v9, v31;
	v9 =	vmul.f32 v37, v37  }
0x150: {  	[tilespmem:$0x1FEF0] =	vst v37;
	v31 =	vadd.f32 v30, v35;
	v30 =	vadd.f32 v36, v37;
	v37 =	vmul.f32 v33, v25;
	v25 =	vld [tilespmem:$0x1FFD0];
	_ =	sdelay $0x1  }
0x151: {  	v62 =	vmul.f32 v36, v36  }
0x152: {  	v51 =	vmul.f32 $7.812500000e-03, v4;
	v4 =	vld.idx.msk [tilespmem:v28+s23+$0x70 ss:$0x1], $0xffff  }
0x153: {  	[tilespmem:$0x1FF00] =	vst v36;
	v35 =	vadd.f32 v48, v63;
	v48 =	vld [tilespmem:s24+$0x18670];
	v9 =	vadd.f32 v62, v9;
	v36 =	vmul.f32 v34, v34  }
0x154: {  	v10 =	vadd.f32 v58, v10;
	v30 =	vadd.f32 v34, v30;
	v58 =	vmul.f32 v33, v25;
	v25 =	vld [tilespmem:$0x1FFE0]  }
0x155: {  	v41 =	vsub.f32 v41, v45;
	v62 =	vmul.f32 v13, v13;
	v9 =	vadd.f32 v36, v9  }
0x156: {  	v36 =	vadd.f32 v35, v37;
	v37 =	vadd.f32 v13, v30  }
0x157: {  	[tilespmem:$0x1FF20] =	vst v13;
	v9 =	vadd.f32 v62, v9;
	v13 =	vadd.f32 v10, v58;
	v10 =	vmul.f32 v31, v31  }
0x158: {  	v4 =	vadd.f32 v48, v4;
	v63 =	vadd.f32 v31, v37  }
0x159: {  	v9 =	vadd.f32 v10, v9;
	v10 =	vmul.f32 v36, v36;
	v33 =	vmul.f32 v33, v25  }
0x15a: {  	[tilespmem:v28+s19+$0x20 ss:$0x1] =	vst.idx.msk $0xffff, v57;
	v7 =	vmul.f32 $7.812500000e-03, v7;
	v62 =	vmul.f32 v51, v51;
	v48 =	vadd.f32 v36, v63  }
0x15b: {  	v25 =	vadd.f32 v4, v33;
	v4 =	vadd.f32 v10, v9;
	v9 =	vmul.f32 v13, v13  }
0x15c: {  	s8 =	sor.u32 $0x6, s17;
	[tilespmem:v28+s19+$0x30 ss:$0x1] =	vst.idx.msk $0xffff, v8;
	v5 =	vmul.f32 v60, v5;
	v10 =	vadd.f32 v13, v48  }
0x15d: {  	s24 =	sor.u32 s15, s8;
	v7 =	vsub.f32 v7, v62;
	v4 =	vadd.f32 v9, v4;
	v8 =	vmul.f32 v25, v25  }
0x15e: {  	s9 =	smulhi.u32 $0x51EB851F, s24;
	v58 =	vmul.f32 v5, v11;
	v5 =	vsub.f32 v43, v45;
	v9 =	vadd.f32 v25, v10  }
0x15f: {  	v7 =	vadd.f32 $9.999999960e-13, v7;
	v4 =	vadd.f32 v8, v4  }
0x160: {  	s25 =	sshrl.u32 s9, $0x6;
	v62 =	vmul.f32 v60, v5;
	v5 =	vsub.f32 v40, v45;
	v33 =	vperm.xlane v9, v23  }
0x161: {  	[tilespmem:v28+s19+$0x40 ss:$0x1] =	vst.idx.msk $0xffff, v61;
	s9 =	sor.u32 s3, s8;
	s25 =	smul.u32 $0xC8, s25;
	v61 =	vmul.f32 $5.000000000e-01, v7;
	v10 =	vshra.s32 v7, $0x1;
	v35 =	vperm.xlane v4, v23  }
0x162: {  	s9 =	sshll.u32 s9, $0x7;
	v10 =	vsub.s32 $0x5F3759DF, v10;
	v8 =	vmul.f32 v60, v5;
	v5 =	vadd.f32 v9, v33  }
0x163: {  	v38 =	vsub.f32 v38, v45;
	[tilespmem:$0x1FF10] =	vst v34;
	s25 =	ssub.s32 s24, s25;
	s24 =	sand.u32 $0x3FFFFF80, s9;
	v34 =	vmul.f32 v10, v61;
	v4 =	vadd.f32 v35, v4  }
0x164: {  	v30 =	vmov v17;
	s25 =	sshll.u32 s25, $0x7;
	v17 =	vld.idx.msk [tilespmem:v28+s24+$0x50 ss:$0x1], $0xffff;
	v63 =	vmul.f32 v60, v41;
	v33 =	vperm.xlane v5, v1  }
0x165: {  	v32 =	vsub.f32 v39, v45;
	v41 =	vld [tilespmem:s25+$0x18610];
	v57 =	vmul.f32 v10, v34;
	v34 =	vperm.xlane v4, v1  }
0x166: {  	v43 =	vsub.f32 v42, v45;
	v40 =	vld.idx.msk [tilespmem:v28+s24+$0x0 ss:$0x1], $0xffff;
	v42 =	vadd.f32 v5, v33  }
0x167: {  	v45 =	vld.idx.msk [tilespmem:v28+s24+$0x20 ss:$0x1], $0xffff;
	v5 =	vmul.f32 v60, v38;
	v38 =	vadd.f32 v34, v4;
	v4 =	vsub.f32 v56, v51  }
0x168: {  	[tilespmem:$0x1FF40] =	vst v36;
	v36 =	vmov v16;
	v16 =	vld.idx.msk [tilespmem:v28+s24+$0x40 ss:$0x1], $0xffff  }
0x169: {  	v35 =	vmov s8;
	[tilespmem:$0x1FED0] =	vst v4;
	v4 =	vld [tilespmem:$0x1FFA0]  }
0x16a: {  	[tilespmem:$0x1FF60] =	vst v25;
	v25 =	vmov v11;
	v11 =	vld [tilespmem:s25+$0x18600];
	v39 =	vperm.xlane v22, v35  }
0x16b: {  	v48 =	vld [tilespmem:s25+$0x18620]  }
0x16c: {  	[tilespmem:$0x1FF30] =	vst v31;
	v31 =	vmovc v12;
	v9 =	vld.idx.msk [tilespmem:v28+s24+$0x10 ss:$0x1], $0xffff;
	v12 =	vsub.f32 $1.500000000e+00, v57;
	v57 =	vmovc v26;
	v26 =	vmov v15;
	v15 =	vcvt.s32.f32 v39  }
0x16d: {  	[tilespmem:v28+s19+$0x50 ss:$0x1] =	vst.idx.msk $0xffff, v6;
	v35 =	vsub.f32 v53, v51;
	v53 =	vld [tilespmem:s25+$0x18640]  }
0x16e: {  	[tilespmem:$0x1FF50] =	vst v13;
	v6 =	vmul.f32 v15, v4;
	v4 =	vld [tilespmem:$0x1FFB0]  }
0x16f: {  	v13 =	vld.idx.msk [tilespmem:v28+s24+$0x30 ss:$0x1], $0xffff;
	v7 =	vmul.f32 v60, v32;
	v11 =	vadd.f32 v11, v40;
	[tilespmem:$0x1FEE0] =	vst v5  }
0x170: {  	v5 =	vsub.f32 v52, v51;
	v52 =	vld [tilespmem:s25+$0x18630];
	v34 =	vsub.f32 v55, v51;
	v55 =	vmovc v27;
	v56 =	vperm.xlane v38, v2  }
0x171: {  	v32 =	vmovc v19;
	v19 =	vld [tilespmem:s25+$0x18650];
	v39 =	vadd.f32 v11, v6;
	v11 =	vadd.f32 v48, v45;
	v6 =	vmul.f32 v15, v55  }
0x172: {  	v9 =	vadd.f32 v41, v9;
	v33 =	vmovc v18;
	v18 =	vadd.f32 v56, v38;
	v56 =	vmul.f32 v15, v57  }
0x173: {  	v41 =	vadd.f32 v11, v6;
	v11 =	vadd.f32 v53, v16;
	v16 =	vmul.f32 v15, v4;
	v4 =	vld [tilespmem:$0x1FFC0]  }
0x174: {  	v27 =	vmov v14;
	v14 =	vperm.xlane v42, v2  }
0x175: {  	v40 =	vadd.f32 v9, v56;
	v9 =	vadd.f32 v52, v13;
	v13 =	vmul.f32 v15, v33  }
0x176: {  	v17 =	vadd.f32 v19, v17;
	v19 =	vld [tilespmem:s25+$0x18670];
	s8 =	sor.u32 $0x7, s17;
	v14 =	vadd.f32 v42, v14  }
0x177: {  	s9 =	sor.u32 s15, s8;
	v42 =	vadd.f32 v9, v13;
	v13 =	vmul.f32 v40, v40;
	v48 =	vld [tilespmem:s25+$0x18660];
	v9 =	vmul.f32 v39, v39  }
0x178: {  	s25 =	smulhi.u32 $0x51EB851F, s9;
	v52 =	vmul.f32 v15, v4;
	v4 =	vld [tilespmem:$0x1FFD0]  }
0x179: {  	v9 =	vadd.f32 v13, v9  }
0x17a: {  	v45 =	vld.idx.msk [tilespmem:v28+s24+$0x60 ss:$0x1], $0xffff;
	s17 =	sshrl.u32 s25, $0x6;
	v13 =	vmul.f32 v41, v41;
	v38 =	vadd.f32 v11, v16;
	v16 =	vadd.f32 v40, v39  }
0x17b: {  	v54 =	vsub.f32 v54, v51;
	v56 =	vmul.f32 v60, v43;
	v60 =	vperm.xlane v14, v0;
	s17 =	smul.u32 $0xC8, s17;
	v11 =	vld.idx.msk [tilespmem:v28+s24+$0x70 ss:$0x1], $0xffff  }
0x17c: {  	v9 =	vadd.f32 v13, v9;
	v13 =	vmul.f32 v42, v42;
	v16 =	vadd.f32 v41, v16  }
0x17d: {  	s9 =	ssub.s32 s9, s17;
	v43 =	vadd.f32 v17, v52;
	v17 =	vmov s8;
	s8 =	sor.u32 s3, s8;
	v53 =	vmul.f32 v15, v4;
	v4 =	vld [tilespmem:$0x1FFE0]  }
0x17e: {  	[tilespmem:v28+s19+$0x60 ss:$0x1] =	vst.idx.msk $0xffff, v59;
	v14 =	vadd.f32 v14, v60;
	s25 =	sshll.u32 s9, $0x7;
	v16 =	vadd.f32 v42, v16;
	s8 =	sshll.u32 s8, $0x7  }
0x17f: {  	v45 =	vadd.f32 v48, v45;
	v59 =	vld [tilespmem:s25+$0x18600];
	v9 =	vadd.f32 v13, v9;
	v13 =	vmul.f32 v38, v38;
	s17 =	sand.u32 $0x3FFFFF80, s8  }
0x180: {  	v11 =	vadd.f32 v19, v11;
	v16 =	vadd.f32 v38, v16;
	v19 =	vld.idx.msk [tilespmem:v28+s17+$0x0 ss:$0x1], $0xffff  }
0x181: {  	v6 =	vperm.xlane v18, v0;
	v9 =	vadd.f32 v13, v9;
	v13 =	vmul.f32 v43, v43  }
0x182: {  	v16 =	vadd.f32 v43, v16;
	v45 =	vadd.f32 v45, v53;
	v15 =	vmul.f32 v15, v4  }
0x183: {  	v10 =	vmul.f32 v10, v12;
	v12 =	vadd.f32 v6, v18;
	v9 =	vadd.f32 v13, v9;
	v13 =	vld.idx.msk [tilespmem:v28+s17+$0x10 ss:$0x1], $0xffff  }
0x184: {  	v48 =	vadd.f32 v11, v15;
	v15 =	vadd.f32 v45, v16;
	v16 =	vld [tilespmem:s25+$0x18610]  }
0x185: {  	v18 =	vsub.f32 v46, v51;
	v19 =	vadd.f32 v59, v19;
	v59 =	vld [tilespmem:$0x1FFA0];
	v11 =	vmul.f32 v45, v45  }
0x186: {  	[tilespmem:v28+s19+$0x70 ss:$0x1] =	vst.idx.msk $0xffff, v50;
	v12 =	vmul.f32 $7.812500000e-03, v12;
	v46 =	vld [tilespmem:s25+$0x18620];
	v17 =	vperm.xlane v22, v17;
	v15 =	vadd.f32 v48, v15  }
0x187: {  	v53 =	vmul.f32 $7.812500000e-03, v14;
	v14 =	vld.idx.msk [tilespmem:v28+s17+$0x20 ss:$0x1], $0xffff;
	v9 =	vadd.f32 v11, v9;
	v11 =	vmul.f32 v48, v48  }
0x188: {  	v60 =	vsub.f32 v44, v51;
	v6 =	vmovc v21;
	v17 =	vcvt.s32.f32 v17;
	v4 =	vmovc v20;
	v20 =	vld [tilespmem:s25+$0x18630];
	v44 =	vperm.xlane v15, v23  }
0x189: {  	v52 =	vmul.f32 v53, v53;
	v9 =	vadd.f32 v11, v9;
	v11 =	vld.idx.msk [tilespmem:v28+s17+$0x30 ss:$0x1], $0xffff;
	v13 =	vadd.f32 v16, v13  }
0x18a: {  	v22 =	vld.idx.msk [tilespmem:v28+s17+$0x50 ss:$0x1], $0xffff;
	v16 =	vmul.f32 v17, v57;
	v15 =	vadd.f32 v15, v44;
	v44 =	vmul.f32 v17, v59  }
0x18b: {  	v21 =	vsub.f32 v47, v51;
	v12 =	vsub.f32 v12, v52;
	v52 =	vld.idx.msk [tilespmem:v28+s17+$0x40 ss:$0x1], $0xffff;
	v50 =	vperm.xlane v9, v23  }
0x18c: {  	v14 =	vadd.f32 v46, v14;
	v59 =	vld [tilespmem:s25+$0x18640];
	v51 =	vadd.f32 v13, v16;
	v13 =	vmul.f32 v17, v33  }
0x18d: {  	v16 =	vld.idx.msk [tilespmem:v28+s17+$0x60 ss:$0x1], $0xffff;
	v9 =	vadd.f32 v50, v9;
	v50 =	vadd.f32 v19, v44;
	v19 =	vmul.f32 v17, v55  }
0x18e: {  	v11 =	vadd.f32 v20, v11;
	v44 =	vmovc v3;
	v3 =	vmovc v2;
	v2 =	vmov v1;
	v1 =	vmov v23;
	v23 =	vld [tilespmem:s25+$0x18650]  }
0x18f: {  	v46 =	vadd.f32 v14, v19;
	v14 =	vld [tilespmem:s25+$0x18660]  }
0x190: {  	v20 =	vmul.f32 v62, v26;
	v62 =	vadd.f32 v11, v13;
	v13 =	vld [tilespmem:$0x1FFB0]  }
0x191: {  	v37 =	vmov v24;
	v24 =	vld [tilespmem:$0x1FFF0];
	_ =	sdelay $0x1  }
0x192: {  	v11 =	vadd.f32 v59, v52;
	v59 =	vld [tilespmem:$0x1FEC0]  }
0x193: {  	v14 =	vadd.f32 v14, v16;
	v16 =	vld [tilespmem:$0x1FFD0]  }
0x194: {  	v7 =	vmul.f32 v7, v29;
	v22 =	vadd.f32 v23, v22;
	v23 =	vld [tilespmem:$0x1FFC0];
	v13 =	vmul.f32 v17, v13  }
0x195: {  	v63 =	vmul.f32 v63, v36;
	v58 =	vadd.f32 v58, v24;
	v47 =	vmovc v49;
	v49 =	vmul.f32 v10, v61;
	v19 =	vld [tilespmem:s25+$0x18670]  }
0x196: {  	v8 =	vmul.f32 v8, v27;
	v7 =	vadd.f32 v7, v6;
	v61 =	vadd.f32 v11, v13;
	v11 =	vld.idx.msk [tilespmem:v28+s17+$0x70 ss:$0x1], $0xffff  }
0x197: {  	v12 =	vadd.f32 $9.999999960e-13, v12;
	v20 =	vadd.f32 v20, v32;
	[tilespmem:v28+s18+$0x0 ss:$0x1] =	vst.idx.msk $0xffff, v59;
	v13 =	vmul.f32 v49, v10  }
0x198: {  	v8 =	vadd.f32 v8, v4;
	[tilespmem:v28+s18+$0x10 ss:$0x1] =	vst.idx.msk $0xffff, v58;
	v58 =	vld [tilespmem:$0x1FFE0];
	v16 =	vmul.f32 v17, v16  }
0x199: {  	[tilespmem:v28+s18+$0x20 ss:$0x1] =	vst.idx.msk $0xffff, v20;
	v20 =	vshra.s32 v12, $0x1;
	v23 =	vmul.f32 v17, v23;
	v13 =	vsub.f32 $1.500000000e+00, v13  }
0x19a: {  	v49 =	vadd.f32 v14, v16;
	v14 =	vmul.f32 v50, v50;
	v16 =	vmul.f32 v51, v51  }
0x19b: {  	v10 =	vmul.f32 v13, v10;
	v13 =	vadd.f32 v51, v50;
	v11 =	vadd.f32 v19, v11;
	v19 =	vld [tilespmem:$0x1FF90]  }
0x19c: {  	[tilespmem:v28+s18+$0x30 ss:$0x1] =	vst.idx.msk $0xffff, v8;
	v8 =	vmul.f32 $5.000000000e-01, v12;
	v14 =	vadd.f32 v16, v14;
	v16 =	vmul.f32 v46, v46  }
0x19d: {  	v52 =	vadd.f32 v22, v23;
	v12 =	vmul.f32 v17, v58;
	v13 =	vadd.f32 v46, v13  }
0x19e: {  	v22 =	vmul.f32 v10, v54;
	v14 =	vadd.f32 v16, v14;
	v16 =	vmul.f32 v62, v62  }
0x19f: {  	v5 =	vmul.f32 v10, v5;
	v34 =	vmul.f32 v10, v34;
	v13 =	vadd.f32 v62, v13  }
0x1a0: {  	v35 =	vmul.f32 v10, v35;
	v19 =	vadd.f32 v63, v19;
	v14 =	vadd.f32 v16, v14  }
0x1a1: {  	v16 =	vmul.f32 v61, v61;
	v13 =	vadd.f32 v61, v13;
	v63 =	vsub.s32 $0x5F3759DF, v20  }
0x1a2: {  	v17 =	vmul.f32 v10, v18;
	v59 =	vadd.f32 v11, v12;
	v20 =	vld [tilespmem:$0x1FF80];
	v11 =	vmul.f32 v63, v8  }
0x1a3: {  	v14 =	vadd.f32 v16, v14;
	v16 =	vmul.f32 v52, v52;
	v12 =	vadd.f32 v52, v13  }
0x1a4: {  	[tilespmem:v28+s18+$0x40 ss:$0x1] =	vst.idx.msk $0xffff, v7;
	v23 =	vmov v1;
	v18 =	vmul.f32 v10, v60;
	v13 =	vld [tilespmem:$0x1FED0];
	v11 =	vmul.f32 v63, v11  }
0x1a5: {  	v1 =	vmovc v2;
	v14 =	vadd.f32 v16, v14;
	v16 =	vmul.f32 v49, v49;
	v12 =	vadd.f32 v49, v12  }
0x1a6: {  	v5 =	vmul.f32 v5, v25;
	[tilespmem:v28+s18+$0x50 ss:$0x1] =	vst.idx.msk $0xffff, v19;
	v19 =	vperm.xlane v15, v1;
	v11 =	vsub.f32 $1.500000000e+00, v11  }
0x1a7: {  	v20 =	vmul.f32 v56, v20;
	v14 =	vadd.f32 v16, v14;
	v12 =	vadd.f32 v59, v12  }
0x1a8: {  	v16 =	vmul.f32 v59, v59;
	v7 =	vmul.f32 v63, v11;
	v11 =	vadd.f32 v15, v19;
	v19 =	vld [tilespmem:$0x1FEE0]  }
0x1a9: {  	v13 =	vmul.f32 v10, v13;
	v15 =	vperm.xlane v12, v23  }
0x1aa: {  	v2 =	vmovc v3;
	v10 =	vmul.f32 v10, v21;
	v14 =	vadd.f32 v16, v14;
	v16 =	vperm.xlane v9, v1  }
0x1ab: {  	v20 =	vadd.f32 v20, v37;
	v12 =	vadd.f32 v12, v15;
	v15 =	vperm.xlane v11, v2  }
0x1ac: {  	v3 =	vmovc v44;
	v21 =	vmul.f32 v22, v31;
	v9 =	vadd.f32 v16, v9;
	v16 =	vperm.xlane v14, v23  }
0x1ad: {  	v19 =	vmul.f32 v19, v3;
	v11 =	vadd.f32 v11, v15;
	v15 =	vperm.xlane v12, v1  }
0x1ae: {  	v8 =	vmul.f32 v7, v8;
	v14 =	vadd.f32 v16, v14;
	v16 =	vperm.xlane v9, v2  }
0x1af: {  	v19 =	vadd.f32 v19, v47;
	v12 =	vadd.f32 v12, v15;
	v15 =	vperm.xlane v11, v0  }
0x1b0: {  	v8 =	vmul.f32 v8, v7;
	v9 =	vadd.f32 v16, v9;
	v16 =	vperm.xlane v14, v1  }
0x1b1: {  	v11 =	vadd.f32 v11, v15;
	v15 =	vperm.xlane v12, v2;
	[tilespmem:v28+s18+$0x60 ss:$0x1] =	vst.idx.msk $0xffff, v19  }
0x1b2: {  	v14 =	vadd.f32 v16, v14;
	v16 =	vperm.xlane v9, v0;
	[tilespmem:v28+s18+$0x70 ss:$0x1] =	vst.idx.msk $0xffff, v20  }
0x1b3: {  	v20 =	vmovc v4;
	v4 =	vmul.f32 v34, v26;
	v12 =	vadd.f32 v12, v15;
	v15 =	vadd.f32 v21, v30  }
0x1b4: {  	v5 =	vadd.f32 v5, v24;
	v9 =	vadd.f32 v16, v9  }
0x1b5: {  	v8 =	vsub.f32 $1.500000000e+00, v8;
	v16 =	vperm.xlane v14, v2;
	v4 =	vadd.f32 v4, v32;
	[tilespmem:v28+s20+$0x0 ss:$0x1] =	vst.idx.msk $0xffff, v15  }
0x1b6: {  	[tilespmem:v28+s20+$0x10 ss:$0x1] =	vst.idx.msk $0xffff, v5  }
0x1b7: {  	v7 =	vmul.f32 v8, v7;
	v8 =	vadd.f32 v16, v14;
	[tilespmem:v28+s20+$0x20 ss:$0x1] =	vst.idx.msk $0xffff, v4;
	v4 =	vld [tilespmem:$0x1FF90]  }
0x1b8: {  	v5 =	vperm.xlane v12, v0  }
0x1b9: {  	v15 =	vperm.xlane v8, v0  }
0x1ba: {  	v5 =	vadd.f32 v12, v5;
	v12 =	vmul.f32 v13, v29;
	v13 =	vmul.f32 v17, v36  }
0x1bb: {  	v8 =	vadd.f32 v15, v8;
	v15 =	vld [tilespmem:$0x1FEF0]  }
0x1bc: {  	v11 =	vmul.f32 $7.812500000e-03, v11;
	v13 =	vadd.f32 v13, v4;
	v4 =	vld [tilespmem:$0x1FF80]  }
0x1bd: {  	v63 =	vmul.f32 v35, v27  }
0x1be: {  	v9 =	vmul.f32 $7.812500000e-03, v9;
	v14 =	vmul.f32 v11, v11  }
0x1bf: {  	v21 =	vmov v6;
	v6 =	vadd.f32 v63, v20  }
0x1c0: {  	v9 =	vsub.f32 v9, v14;
	v14 =	vmul.f32 v18, v3;
	v12 =	vadd.f32 v12, v21  }
0x1c1: {  	[tilespmem:v28+s20+$0x30 ss:$0x1] =	vst.idx.msk $0xffff, v6;
	v15 =	vsub.f32 v15, v53;
	v10 =	vmul.f32 v10, v4;
	v4 =	vmul.f32 $7.812500000e-03, v5  }
0x1c2: {  	v34 =	vadd.f32 v14, v47;
	v8 =	vmul.f32 $7.812500000e-03, v8;
	[tilespmem:v28+s20+$0x40 ss:$0x1] =	vst.idx.msk $0xffff, v12  }
0x1c3: {  	[tilespmem:v28+s20+$0x50 ss:$0x1] =	vst.idx.msk $0xffff, v13;
	v14 =	vmul.f32 v7, v15;
	v13 =	vmul.f32 v4, v4;
	_ =	sdelay $0x1  }
0x1c4: {  	v9 =	vadd.f32 $9.999999960e-13, v9;
	v8 =	vsub.f32 v8, v13;
	v13 =	vmul.f32 v14, v31;
	v14 =	vld [tilespmem:$0x1FF10]  }
0x1c5: {  	v5 =	vld [tilespmem:$0x1FF00]  }
0x1c6: {  	v12 =	vshra.s32 v9, $0x1;
	v9 =	vmul.f32 $5.000000000e-01, v9;
	v15 =	vld [tilespmem:$0x1FF20]  }
0x1c7: {  	v12 =	vsub.s32 $0x5F3759DF, v12  }
0x1c8: {  	v35 =	vmul.f32 v12, v9  }
0x1c9: {  	v14 =	vsub.f32 v14, v53  }
0x1ca: {  	v6 =	vmul.f32 v12, v35;
	v5 =	vsub.f32 v5, v53  }
0x1cb: {  	v10 =	vadd.f32 v10, v37;
	v15 =	vsub.f32 v15, v53;
	v14 =	vmul.f32 v7, v14  }
0x1cc: {  	[tilespmem:v28+s20+$0x60 ss:$0x1] =	vst.idx.msk $0xffff, v34;
	v6 =	vsub.f32 $1.500000000e+00, v6;
	v5 =	vmul.f32 v7, v5  }
0x1cd: {  	[tilespmem:v28+s20+$0x70 ss:$0x1] =	vst.idx.msk $0xffff, v10;
	v10 =	vmul.f32 v14, v26;
	v14 =	vmul.f32 v7, v15;
	v15 =	vld [tilespmem:$0x1FF30]  }
0x1ce: {  	v6 =	vmul.f32 v12, v6;
	v12 =	vld [tilespmem:$0x1FF40];
	v13 =	vadd.f32 v13, v30;
	v5 =	vmul.f32 v5, v25  }
0x1cf: {  	v22 =	vmov v24  }
0x1d0: {  	[tilespmem:v28+s23+$0x0 ss:$0x1] =	vst.idx.msk $0xffff, v13;
	v5 =	vadd.f32 v5, v22;
	v13 =	vmul.f32 v14, v27  }
0x1d1: {  	v10 =	vadd.f32 v10, v32  }
0x1d2: {  	[tilespmem:v28+s23+$0x10 ss:$0x1] =	vst.idx.msk $0xffff, v5;
	v13 =	vadd.f32 v13, v20;
	v15 =	vsub.f32 v15, v53  }
0x1d3: {  	v12 =	vsub.f32 v12, v53;
	[tilespmem:v28+s23+$0x20 ss:$0x1] =	vst.idx.msk $0xffff, v10  }
0x1d4: {  	[tilespmem:v28+s23+$0x30 ss:$0x1] =	vst.idx.msk $0xffff, v13;
	v13 =	vld [tilespmem:$0x1FF90];
	v14 =	vmul.f32 v7, v15  }
0x1d5: {  	v5 =	vmul.f32 v7, v12  }
0x1d6: {  	v10 =	vmul.f32 v14, v29  }
0x1d7: {  	v5 =	vmul.f32 v5, v36;
	v15 =	vld [tilespmem:$0x1FF50]  }
0x1d8: {  	v10 =	vadd.f32 v10, v21  }
0x1d9: {  	v8 =	vadd.f32 $9.999999960e-13, v8;
	v5 =	vadd.f32 v5, v13  }
0x1da: {  	v9 =	vmul.f32 v6, v9;
	[tilespmem:v28+s23+$0x40 ss:$0x1] =	vst.idx.msk $0xffff, v10  }
0x1db: {  	v12 =	vshra.s32 v8, $0x1;
	v8 =	vmul.f32 $5.000000000e-01, v8;
	[tilespmem:v28+s23+$0x50 ss:$0x1] =	vst.idx.msk $0xffff, v5;
	v5 =	vld [tilespmem:$0x1FF60]  }
0x1dc: {  	v9 =	vmul.f32 v9, v6;
	v12 =	vsub.s32 $0x5F3759DF, v12;
	v15 =	vsub.f32 v15, v53  }
0x1dd: {  	v14 =	vmul.f32 v12, v8  }
0x1de: {  	v9 =	vsub.f32 $1.500000000e+00, v9;
	v10 =	vmul.f32 v7, v15  }
0x1df: {  	v13 =	vmul.f32 v12, v14;
	v14 =	vld [tilespmem:$0x1FF80]  }
0x1e0: {  	v6 =	vmul.f32 v9, v6;
	v9 =	vmul.f32 v10, v3;
	v5 =	vsub.f32 v5, v53  }
0x1e1: {  	v13 =	vsub.f32 $1.500000000e+00, v13;
	v10 =	vsub.f32 v39, v11  }
0x1e2: {  	v9 =	vadd.f32 v9, v47;
	v5 =	vmul.f32 v7, v5  }
0x1e3: {  	v10 =	vmul.f32 v6, v10;
	v53 =	vmul.f32 v12, v13;
	v12 =	vsub.f32 v40, v11  }
0x1e4: {  	v13 =	vsub.f32 v41, v11;
	v5 =	vmul.f32 v5, v14;
	v14 =	vsub.f32 v42, v11  }
0x1e5: {  	v12 =	vmul.f32 v6, v12  }
0x1e6: {  	[tilespmem:v28+s23+$0x60 ss:$0x1] =	vst.idx.msk $0xffff, v9;
	v9 =	vmul.f32 v10, v31;
	v10 =	vmul.f32 v6, v13  }
0x1e7: {  	v12 =	vmul.f32 v12, v25;
	v5 =	vadd.f32 v5, v37;
	v13 =	vmul.f32 v6, v14  }
0x1e8: {  	v8 =	vmul.f32 v53, v8;
	v9 =	vadd.f32 v9, v30;
	v10 =	vmul.f32 v10, v26;
	v14 =	vmovc v27  }
0x1e9: {  	[tilespmem:v28+s23+$0x70 ss:$0x1] =	vst.idx.msk $0xffff, v5;
	v5 =	vadd.f32 v12, v22;
	v12 =	vmul.f32 v13, v14  }
0x1ea: {  	v8 =	vmul.f32 v8, v53;
	[tilespmem:v28+s24+$0x0 ss:$0x1] =	vst.idx.msk $0xffff, v9;
	v9 =	vadd.f32 v10, v32  }
0x1eb: {  	v10 =	vsub.f32 v38, v11;
	[tilespmem:v28+s24+$0x10 ss:$0x1] =	vst.idx.msk $0xffff, v5;
	v5 =	vadd.f32 v12, v20  }
0x1ec: {  	v8 =	vsub.f32 $1.500000000e+00, v8;
	[tilespmem:v28+s24+$0x20 ss:$0x1] =	vst.idx.msk $0xffff, v9;
	v9 =	vsub.f32 v43, v11  }
0x1ed: {  	v17 =	vld [tilespmem:$0x1FF90];
	[tilespmem:v28+s24+$0x30 ss:$0x1] =	vst.idx.msk $0xffff, v5;
	v5 =	vmul.f32 v6, v10;
	v10 =	vsub.f32 v45, v11  }
0x1ee: {  	v7 =	vmul.f32 v8, v53;
	v8 =	vmul.f32 v6, v9  }
0x1ef: {  	v5 =	vmul.f32 v5, v29;
	v9 =	vmul.f32 v6, v10;
	v10 =	vsub.f32 v50, v4  }
0x1f0: {  	v11 =	vsub.f32 v48, v11;
	v8 =	vmul.f32 v8, v36  }
0x1f1: {  	v5 =	vadd.f32 v5, v21;
	v9 =	vmul.f32 v9, v3;
	v10 =	vmul.f32 v7, v10  }
0x1f2: {  	v6 =	vmul.f32 v6, v11;
	v11 =	vsub.f32 v51, v4;
	v8 =	vadd.f32 v8, v17  }
0x1f3: {  	v17 =	vld [tilespmem:$0x1FF80];
	[tilespmem:v28+s24+$0x40 ss:$0x1] =	vst.idx.msk $0xffff, v5;
	v5 =	vadd.f32 v9, v47;
	v9 =	vmul.f32 v10, v31  }
0x1f4: {  	v11 =	vmul.f32 v7, v11;
	[tilespmem:v28+s24+$0x50 ss:$0x1] =	vst.idx.msk $0xffff, v8  }
0x1f5: {  	[tilespmem:v28+s24+$0x60 ss:$0x1] =	vst.idx.msk $0xffff, v5;
	v5 =	vadd.f32 v9, v30;
	v9 =	vsub.f32 v46, v4  }
0x1f6: {  	v10 =	vsub.f32 v49, v4;
	v8 =	vmul.f32 v11, v25  }
0x1f7: {  	[tilespmem:v28+s17+$0x0 ss:$0x1] =	vst.idx.msk $0xffff, v5;
	v5 =	vmul.f32 v7, v9;
	v9 =	vsub.f32 v61, v4  }
0x1f8: {  	v13 =	vmov v26;
	v10 =	vmul.f32 v7, v10;
	v6 =	vmul.f32 v6, v17  }
0x1f9: {  	v27 =	vmov v55;
	v5 =	vmul.f32 v5, v13;
	v9 =	vmul.f32 v7, v9  }
0x1fa: {  	v26 =	vmovc v57;
	v55 =	vadd.f32 v8, v22;
	v8 =	vsub.f32 v62, v4;
	v57 =	vmul.f32 v10, v3  }
0x1fb: {  	v6 =	vadd.f32 v6, v37;
	v5 =	vadd.f32 v5, v32;
	v9 =	vmul.f32 v9, v29  }
0x1fc: {  	v10 =	vld [tilespmem:$0x1FF90];
	[tilespmem:v28+s17+$0x10 ss:$0x1] =	vst.idx.msk $0xffff, v55;
	v56 =	vmul.f32 v7, v8;
	v8 =	vsub.f32 v52, v4  }
0x1fd: {  	v4 =	vsub.f32 v59, v4;
	[tilespmem:v28+s17+$0x20 ss:$0x1] =	vst.idx.msk $0xffff, v5;
	v5 =	vadd.f32 v9, v21;
	v9 =	vld [tilespmem:$0x1FF80]  }
0x1fe: {  	[tilespmem:v28+s24+$0x70 ss:$0x1] =	vst.idx.msk $0xffff, v6;
	v6 =	vmul.f32 v56, v14;
	v8 =	vmul.f32 v7, v8;
	_ =	sdelay $0x1  }
0x1ff: {  	v4 =	vmul.f32 v7, v4;
	v6 =	vadd.f32 v6, v20;
	v8 =	vmul.f32 v8, v36  }
0x200: {  	p1 =	por p0, p0  }
.Ltmp0:
0x201: {  	[tilespmem:v28+s17+$0x30 ss:$0x1] =	vst.idx.msk $0xffff, v6;
	v59 =	vadd.f32 v8, v10;
	v4 =	vmul.f32 v4, v9;
	(pc) =	sbr.rel @p1 .LBB2_4-.Ltmp0, $4  }
0x202: {  	v44 =	vld [tilespmem:$0x1FFD0];
	[tilespmem:v28+s17+$0x40 ss:$0x1] =	vst.idx.msk $0xffff, v5;
	v5 =	vadd.f32 v57, v47  }
0x203: {  	v24 =	vmov v37;
	v40 =	vld [tilespmem:$0x1FFB0];
	[tilespmem:v28+s17+$0x50 ss:$0x1] =	vst.idx.msk $0xffff, v59;
	v4 =	vadd.f32 v4, v37  }
0x204: {  	v19 =	vmovc v32;
	v16 =	vmovc v36;
	v18 =	vmov v33;
	v53 =	vmov v22;
	v43 =	vld [tilespmem:$0x1FFC0];
	v15 =	vmov v13;
	[tilespmem:v28+s17+$0x60 ss:$0x1] =	vst.idx.msk $0xffff, v5  }
0x205: {  	p0 =	por $0x0, $0x0;
	v12 =	vmovc v31;
	v11 =	vmovc v25;
	v25 =	vld [tilespmem:$0x1FFA0];
	v17 =	vmov v30;
	v62 =	vmov v47;
	v13 =	vmov v29;
	[tilespmem:v28+s17+$0x70 ss:$0x1] =	vst.idx.msk $0xffff, v4;
	s17 =	simm.s32 $0x8  }
0x206: {  	s31 =	sadd.s32 $0x1, s31  }
0x207: {  	p0 =	sne.s32 s31, $0x10  }
.Ltmp1:
0x208: {  	_ = 	snop;
	(pc) =	sbr.rel @p0 .LBB2_3-.Ltmp1, $1  }
0x209: {  	_ =	sdelay $0x3  }
0x20a: {  	p0 =	sne.s32 s30, $0x64  }
.Ltmp2:
0x20b: {  	_ = 	snop;
	(pc) =	sbr.rel @p0 .LBB2_2-.Ltmp2, $4  }
0x20c: {  	_ = 	snop  }
0x20d: {  	s2 =	sshll.u32 s4, $0x4  }
0x20e: {  	s2 =	sadd.s32 s5, s2  }
0x20f: {  	[hbm4b:s2+s6] =	stream.linear.scatter [tilespmem:s0], [sflag:$0x3], $0x8000, $0x38;
	[tilespmem:$0x1EC00] =	vst v63  }
0x210: {  	_ =	swait.ge [sflag:s21], $0x200  }
0x211: {  	[sflag:s21] =	ssyncset.done $0x0  }
0x212: {  	[sflag:s21] =	ssyncadd.s32 $0xFFFFFE00  }
0x213: {  	_ =	swait.ge [sflag:s26], $0x4000  }
0x214: {  	[sflag:s26] =	ssyncset.done $0x0  }
0x215: {  	[sflag:s26] =	ssyncadd.s32 $0xFFFFC000  }
0x216: {  	_ =	swait.ge [sflag:s26], $0x4000  }
0x217: {  	[sflag:s26] =	ssyncset.done $0x0  }
0x218: {  	s29 =	sadd.s32 $0x1, s29;
	[sflag:s26] =	ssyncadd.s32 $0xFFFFC000  }
0x219: {  	p0 =	sne.s32 s29, s14;
	_ =	swait.ge [sflag:s28], $0x8000  }
.Ltmp3:
0x21a: {  	[sflag:s28] =	ssyncset.done $0x0;
	(pc) =	sbr.rel @p0 .LBB2_1-.Ltmp3, $4  }
0x21b: {  	[sflag:s28] =	ssyncadd.s32 $0xFFFF8000  }
0x21c: {  	_ =	swait.ge [sflag:s28], $0x8000  }
0x21d: {  	[sflag:s28] =	ssyncset.done $0x0  }
0x21e: {  	[sflag:s28] =	ssyncadd.s32 $0xFFFF8000  }
0x21f: {  	_ =	sfence.sel $0x180000  }
0x220: {  	[bflag:$0x0] =	sbarrier.arrive $0xFFFF  }
0x221: {  	_ =	strace $0x90000047  }
0x222: {  	s0 =	stileid.u32;
	[bflag:$0x2] =	sbarrier.arrive $0xFFFF  }
0x223: {  	p0 =	sne.s32 s0, $0x0;
	s0 =	rddreg [dreg:$0x5]  }
0x224: {  	s0 =	sadd.s32 @!p0 $0x100000, s0  }
0x225: {  	[sflag:s0] =	ssyncadd.tile.s32 @!p0 $0x1;
	_ =	shalt  }
.Lfunc_end2:
_tile_overlayer_lowered:
.L_overlay_start_2:
0x226: {  	(tag) =	ssettag $0x2  }
0x227: {  	s0 =	rddreg [dreg:$0x0];
	s2 =	stileid.u32  }
0x228: {  	s1 =	rddreg [dreg:$0x1];
	p0 =	sne.s32 s2, $0x0  }
0x229: {  	s3 =	rddreg [dreg:$0x2];
	[bflag:$0x3] =	sbarrier.arrive $0xFFFF;
	s2 =	simm.s32 @!p0 $0x1C04  }
0x22a: {  	[timem:s3], [sflag:s2] =	dma.local @!p0 [hbm:s0], s1  }
0x22b: {  	s0 =	simm.s32 @!p0 $0x4  }
0x22c: {  	_ =	swait.ge @!p0 [sflag:s0], s1  }
0x22d: {  	s1 =	ssub.s32 @!p0 $0x0, s1;
	[sflag:s0] =	ssyncset.done @!p0 $0x0  }
0x22e: {  	[sflag:s0] =	ssyncadd.s32 @!p0 s1  }
0x22f: {  	[bflag:$0x3] =	sbarrier.arrive $0xFFFF  }
0x230: {  	_ =	shalt  }

</sc_bundles>
